<compile_context>
chip_gen: v7x
topology: tpu7x:2x2x1
jax: 0.10.2.dev20260603
libtpu: 0.0.44.dev20260713+nightly
codegen_flags: <defaults>
</compile_context>

<pallas_src>
import functools

import jax
import jax.numpy as jnp
from jax import lax
from jax.experimental import pallas as pl
from jax.experimental.pallas import tpu as pltpu
from jax.experimental.pallas import tpu_sc as plsc

T = 32768
E = 64
CAP = 512.0
BLK = 512
NBLK = T // BLK
NW = 32
TPW = T // NW


@functools.lru_cache(maxsize=1)
def _gumbel():
    u = jax.random.uniform(jax.random.key(12345), (T, E), minval=1e-6, maxval=1.0 - 1e-6)
    return jnp.transpose(-jnp.log(-jnp.log(u)))


def _pass1_body(xa_ref, xb_ref, wg_ref, gum_ref, i1_ref, i2_ref, g1_ref,
                g2_ref, r1_ref, r2_ref, laux_ref, c1_ref, cnt_ref, s_ref,
                stats_ref):
    pid = pl.program_id(0)

    @pl.when(pid == 0)
    def _init():
        cnt_ref[...] = jnp.zeros((2 * E, 1), jnp.float32)
        stats_ref[...] = jnp.zeros((E, BLK), jnp.float32)
        tr = lax.broadcasted_iota(jnp.int32, (BLK, BLK), 0)
        tc = lax.broadcasted_iota(jnp.int32, (BLK, BLK), 1)
        s_ref[...] = (tr < tc).astype(jnp.bfloat16)

    la = lax.dot_general(wg_ref[...], xa_ref[...],
                         (((1,), (1,)), ((), ())),
                         preferred_element_type=jnp.float32)
    lb = lax.dot_general(wg_ref[...], xb_ref[...],
                         (((1,), (1,)), ((), ())),
                         preferred_element_type=jnp.float32)
    logits = jnp.concatenate([la, lb], axis=1)
    m = jnp.max(logits, axis=0, keepdims=True)
    ex = jnp.exp(logits - m)
    zinv = 1.0 / jnp.sum(ex, axis=0, keepdims=True)

    iota_e = lax.broadcasted_iota(jnp.int32, (E, BLK), 0)
    i1 = jnp.min(jnp.where(logits == m, iota_e, 127), axis=0, keepdims=True)
    oh1 = iota_e == i1

    noisy = jnp.where(oh1, -jnp.inf, logits + gum_ref[...])
    nm = jnp.max(noisy, axis=0, keepdims=True)
    i2 = jnp.min(jnp.where(noisy == nm, iota_e, 127), axis=0, keepdims=True)
    oh2 = iota_e == i2

    ohb = jnp.concatenate(
        [oh1.astype(jnp.bfloat16), oh2.astype(jnp.bfloat16)], axis=0)
    pre = lax.dot_general(ohb, s_ref[...], (((1,), (0,)), ((), ())),
                          preferred_element_type=jnp.float32)
    ohcat = ohb.astype(jnp.float32)
    cnt = cnt_ref[...]
    ranked = ohcat * (cnt + pre)
    r1_ref[...] = jnp.sum(ranked[:E], axis=0, keepdims=True)
    r2_ref[...] = jnp.sum(ranked[E:], axis=0, keepdims=True)

    probs = ex * zinv
    g1_ref[...] = jnp.sum(jnp.where(oh1, probs, 0.0), axis=0, keepdims=True)
    g2_ref[...] = jnp.sum(jnp.where(oh2, probs, 0.0), axis=0, keepdims=True)
    i1_ref[...] = i1.astype(jnp.float32)
    i2_ref[...] = i2.astype(jnp.float32)

    newcnt = cnt + pre[:, BLK - 1:BLK] + ohcat[:, BLK - 1:BLK]
    cnt_ref[...] = newcnt
    stats_ref[...] = stats_ref[...] + probs

    @pl.when(pid == NBLK - 1)
    def _fin():
        me = jnp.sum(stats_ref[...], axis=1, keepdims=True)
        c1 = newcnt[:E]
        laux_ref[...] = jnp.sum(me * c1, axis=0, keepdims=True) * (
            float(E) / (float(T) * float(T)))
        c1_ref[...] = c1


_pass1 = pl.pallas_call(
    _pass1_body,
    grid=(NBLK,),
    in_specs=[
        pl.BlockSpec((BLK // 2, 1024), lambda i: (2 * i, 0)),
        pl.BlockSpec((BLK // 2, 1024), lambda i: (2 * i + 1, 0)),
        pl.BlockSpec((E, 1024), lambda i: (0, 0)),
        pl.BlockSpec((E, BLK), lambda i: (0, i)),
    ],
    out_specs=[pl.BlockSpec((1, BLK), lambda i: (0, i))] * 6
    + [pl.BlockSpec((1, 1), lambda i: (0, 0)),
       pl.BlockSpec((E, 1), lambda i: (0, 0))],
    out_shape=[jax.ShapeDtypeStruct((1, T), jnp.float32)] * 6
    + [jax.ShapeDtypeStruct((1, 1), jnp.float32),
       jax.ShapeDtypeStruct((E, 1), jnp.float32)],
    scratch_shapes=[pltpu.VMEM((2 * E, 1), jnp.float32),
                    pltpu.VMEM((BLK, BLK), jnp.bfloat16),
                    pltpu.VMEM((E, BLK), jnp.float32)],
)


GPC = 8
CHT = GPC * 16
NCH = TPW // CHT


def _pass2_body(i1_hbm, i2_hbm, g1_hbm, g2_hbm, r1_hbm, r2_hbm, c1tot_hbm,
                out_hbm, i1_v, i2_v, g1_v, g2_v, r1_v, r2_v, c1_v, ov0, ov1,
                in_sem, out_sem):
    wid = lax.axis_index("s") * 2 + lax.axis_index("c")
    base = wid * TPW
    cps = [
        pltpu.async_copy(i1_hbm.at[0, pl.ds(base, TPW)], i1_v, in_sem),
        pltpu.async_copy(i2_hbm.at[0, pl.ds(base, TPW)], i2_v, in_sem),
        pltpu.async_copy(g1_hbm.at[0, pl.ds(base, TPW)], g1_v, in_sem),
        pltpu.async_copy(g2_hbm.at[0, pl.ds(base, TPW)], g2_v, in_sem),
        pltpu.async_copy(r1_hbm.at[0, pl.ds(base, TPW)], r1_v, in_sem),
        pltpu.async_copy(r2_hbm.at[0, pl.ds(base, TPW)], r2_v, in_sem),
        pltpu.async_copy(c1tot_hbm, c1_v, in_sem),
    ]

    zeros16 = jnp.zeros((16,), jnp.float32)

    def _zero_buf(buf):
        @plsc.parallel_loop(0, CHT, unroll=8)
        def _z(k):
            for j in range(E // 16):
                buf[k, pl.ds(j * 16, 16)] = zeros16

    _zero_buf(ov0)
    _zero_buf(ov1)

    for c in cps:
        c.wait()

    lane = lax.broadcasted_iota(jnp.int32, (16,), 0)
    zidx = jnp.zeros((16,), jnp.int32)
    bufs = [ov0, ov1]
    ocps = []
    for ch in range(NCH):
        buf = bufs[ch % 2]
        if ch >= 2:
            ocps[ch - 2].wait()
            _zero_buf(buf)

        @plsc.parallel_loop(0, GPC, unroll=4)
        def _grp(gl):
            sl = pl.ds((ch * GPC + gl) * 16, 16)
            i1i = i1_v[sl].astype(jnp.int32)
            i2i = i2_v[sl].astype(jnp.int32)
            keep1 = r1_v[sl] < CAP
            c1at2 = plsc.load_gather(c1_v, [i2i, zidx])
            keep2 = (c1at2 + r2_v[sl]) < CAP
            tok = gl * 16 + lane
            plsc.store_scatter(buf, [tok, i1i], g1_v[sl], mask=keep1)
            plsc.store_scatter(buf, [tok, i2i], g2_v[sl], mask=keep2)

        ocps.append(pltpu.async_copy(
            buf, out_hbm.at[pl.ds(base + ch * CHT, CHT)], out_sem))

    ocps[NCH - 2].wait()
    ocps[NCH - 1].wait()


@functools.lru_cache(maxsize=1)
def _pass2():
    return pl.kernel(
        _pass2_body,
        out_type=jax.ShapeDtypeStruct((T, E), jnp.float32),
        mesh=plsc.VectorSubcoreMesh(core_axis_name="c", subcore_axis_name="s"),
        scratch_types=[pltpu.VMEM((TPW,), jnp.float32)] * 6
        + [pltpu.VMEM((E, 1), jnp.float32),
           pltpu.VMEM((CHT, E), jnp.float32),
           pltpu.VMEM((CHT, E), jnp.float32),
           pltpu.SemaphoreType.DMA, pltpu.SemaphoreType.DMA],
        compiler_params=pltpu.CompilerParams(needs_layout_passes=False),
    )


def kernel(x, wg_weight):
    i1, i2, g1, g2, r1, r2, laux, c1 = _pass1(x, x, wg_weight, _gumbel())
    combine = _pass2()(i1, i2, g1, g2, r1, r2, c1)
    return (laux[0, 0], combine)

# --- scband reference (transcript-rebuilt; emitter-appended) ---
"""Pipeline reference for scband-top-kgate-89043261980986 (READ-ONLY COPY).

The authoritative reference and input builder live on the scoring server;
editing this copy changes nothing except your own understanding.
"""

import jax, jax.numpy as jnp
import numpy as np
import math

NUM_EXPERTS = 64
TOP_K = 2
CAPACITY_FACTOR = 1.0
MIN_CAPACITY = 4


def setup_inputs(seed: int = 0) -> dict:
    key = jax.random.key(seed)
    k1, k2 = jax.random.split(key)
    x = jax.random.normal(k1, (32768, 1024), dtype=jnp.float32)
    wg_weight = jax.random.normal(k2, (NUM_EXPERTS, 1024), dtype=jnp.float32) * 0.02
    return {"x": x, "wg_weight": wg_weight}


def _topkgating(logits, capacity_factor, min_capacity, in_k):
    T, num_experts = logits.shape
    gates = jax.nn.softmax(logits, axis=1)
    top1_p = jnp.max(gates, axis=1)
    capacity = max(int(math.ceil(T / num_experts * capacity_factor)), int(min_capacity))
    indices1_s = jnp.argmax(gates, axis=1)
    mask1 = jax.nn.one_hot(indices1_s, num_experts, dtype=jnp.int32)
    exp_counts = jnp.sum(mask1, axis=0)
    # gumbel noise (deterministic key, mirrors gumbel_rsample)
    gkey = jax.random.key(12345)
    u = jax.random.uniform(gkey, logits.shape, minval=1e-6, maxval=1.0 - 1e-6)
    gumbel = -jnp.log(-jnp.log(u))
    logits_w_noise = logits + gumbel
    logits_except1 = jnp.where(mask1.astype(bool), -jnp.inf, logits_w_noise)
    if in_k > 1:
        _, gates_indices = jax.lax.top_k(logits_except1, in_k - 1)
        whole_chosen_indices = jnp.concatenate([indices1_s[:, None], gates_indices], axis=1)
    else:
        whole_chosen_indices = indices1_s[:, None]
    scatter_importance = jnp.broadcast_to(jnp.arange(in_k, 0, -1, dtype=jnp.int32), whole_chosen_indices.shape)
    rows = jnp.arange(T)[:, None]
    tensor_all_mask = jnp.zeros((T, num_experts), dtype=jnp.int32).at[rows, whole_chosen_indices].set(scatter_importance)
    # top-capacity tokens per expert (torch.topk over dim=0)
    _, top_idx_t = jax.lax.top_k(tensor_all_mask.T, capacity)  # [E, capacity]
    top_idx = top_idx_t.T  # [capacity, E]
    cols = jnp.arange(num_experts)[None, :]
    sel = jnp.zeros((T, num_experts), dtype=jnp.int32).at[top_idx, jnp.broadcast_to(cols, top_idx.shape)].set(1)
    new_mask1 = tensor_all_mask * sel
    tensor_all_mask = (new_mask1 > 0).astype(jnp.int32)
    expert_actual_received_num = tensor_all_mask.sum(axis=0)
    expert_not_full_ratio = (expert_actual_received_num < capacity).sum() / num_experts
    me = jnp.mean(gates, axis=0)
    ce = jnp.mean(jax.lax.stop_gradient(mask1).astype(jnp.float32), axis=0)
    l_aux = jnp.sum(me * ce) * num_experts
    mask_f = jax.lax.stop_gradient(tensor_all_mask.astype(gates.dtype))
    combine_weights = gates * mask_f
    return l_aux, combine_weights, exp_counts, top_idx


def reference(x, wg_weight):
    logits = x @ wg_weight.T
    l_aux, combine_weights, exp_counts, top_idx = _topkgating(logits, CAPACITY_FACTOR, MIN_CAPACITY, TOP_K)
    return (l_aux, combine_weights)

if __name__ == "__main__":
    import jax
    _d = setup_inputs()
    print(jax.jit(kernel)(*tuple(_d.values())))

</pallas_src>

<mosaic_0001>
#map = affine_map<(d0, d1) -> (0, 0)>
module attributes {stable_mosaic.version = 14 : i64} {
  func.func @_pass2_body(%arg0: i32, %arg1: i32, %arg2: memref<1x32768xf32, #tpu.memory_space<hbm>>, %arg3: memref<1x32768xf32, #tpu.memory_space<hbm>>, %arg4: memref<1x32768xf32, #tpu.memory_space<hbm>>, %arg5: memref<1x32768xf32, #tpu.memory_space<hbm>>, %arg6: memref<1x32768xf32, #tpu.memory_space<hbm>>, %arg7: memref<1x32768xf32, #tpu.memory_space<hbm>>, %arg8: memref<64x1xf32, #tpu.memory_space<hbm>>, %arg9: memref<32768x64xf32, #tpu.memory_space<hbm>>, %arg10: memref<1024xf32, #tpu.memory_space<vmem>>, %arg11: memref<1024xf32, #tpu.memory_space<vmem>>, %arg12: memref<1024xf32, #tpu.memory_space<vmem>>, %arg13: memref<1024xf32, #tpu.memory_space<vmem>>, %arg14: memref<1024xf32, #tpu.memory_space<vmem>>, %arg15: memref<1024xf32, #tpu.memory_space<vmem>>, %arg16: memref<64x1xf32, #tpu.memory_space<vmem>>, %arg17: memref<128x64xf32, #tpu.memory_space<vmem>>, %arg18: memref<128x64xf32, #tpu.memory_space<vmem>>, %arg19: memref<!tpu.dma_semaphore, #tpu.memory_space<semaphore_mem>>, %arg20: memref<!tpu.dma_semaphore, #tpu.memory_space<semaphore_mem>>) attributes {dimension_semantics = [#tpu.dimension_semantics<core_parallel>, #tpu.dimension_semantics<subcore_parallel>], iteration_bounds = array<i64: 2, 16>, scalar_prefetch = 0 : i64, scratch_operands = 11 : i64, tpu.core_type = #tpu.core_type<sc_vector_subcore>, window_params = [{transform_indices = #map}, {transform_indices = #map}, {transform_indices = #map}, {transform_indices = #map}, {transform_indices = #map}, {transform_indices = #map}, {transform_indices = #map}, {transform_indices = #map}]} {
    %mul3A = arith.constant 2 : i32
    %mul3A_0 = arith.muli %arg1, %mul3A : i32
    %add3A = arith.addi %mul3A_0, %arg0 : i32
    %mul3A_1 = arith.constant 1024 : i32
    %mul3A_2 = arith.muli %add3A, %mul3A_1 : i32
    %dma_start3A = arith.constant 0 : i32
    %dma_start3A_3 = tpu.memref_slice %arg2[%dma_start3A, %mul3A_2] : memref<1x32768xf32, #tpu.memory_space<hbm>> -> memref<1x1024xf32, #tpu.memory_space<hbm>>
    %dma_start3A_4 = tpu.memref_squeeze %dma_start3A_3 : memref<1x1024xf32, #tpu.memory_space<hbm>> -> memref<1024xf32, #tpu.memory_space<hbm>>
    %dma_start3A_5 = tpu.memref_slice %arg2[%dma_start3A, %mul3A_2] : memref<1x32768xf32, #tpu.memory_space<hbm>> -> memref<1x1024xf32, #tpu.memory_space<hbm>>
    %dma_start3A_6 = tpu.memref_squeeze %dma_start3A_5 : memref<1x1024xf32, #tpu.memory_space<hbm>> -> memref<1024xf32, #tpu.memory_space<hbm>>
    tpu.enqueue_dma source(%dma_start3A_6 : memref<1024xf32, #tpu.memory_space<hbm>>) target(%arg10 : memref<1024xf32, #tpu.memory_space<vmem>>) target_semaphore(%arg19 : memref<!tpu.dma_semaphore, #tpu.memory_space<semaphore_mem>>)
    %dma_start3A_7 = arith.constant 0 : i32
    %dma_start3A_8 = tpu.memref_slice %arg3[%dma_start3A_7, %mul3A_2] : memref<1x32768xf32, #tpu.memory_space<hbm>> -> memref<1x1024xf32, #tpu.memory_space<hbm>>
    %dma_start3A_9 = tpu.memref_squeeze %dma_start3A_8 : memref<1x1024xf32, #tpu.memory_space<hbm>> -> memref<1024xf32, #tpu.memory_space<hbm>>
    %dma_start3A_10 = tpu.memref_slice %arg3[%dma_start3A_7, %mul3A_2] : memref<1x32768xf32, #tpu.memory_space<hbm>> -> memref<1x1024xf32, #tpu.memory_space<hbm>>
    %dma_start3A_11 = tpu.memref_squeeze %dma_start3A_10 : memref<1x1024xf32, #tpu.memory_space<hbm>> -> memref<1024xf32, #tpu.memory_space<hbm>>
    tpu.enqueue_dma source(%dma_start3A_11 : memref<1024xf32, #tpu.memory_space<hbm>>) target(%arg11 : memref<1024xf32, #tpu.memory_space<vmem>>) target_semaphore(%arg19 : memref<!tpu.dma_semaphore, #tpu.memory_space<semaphore_mem>>)
    %dma_start3A_12 = arith.constant 0 : i32
    %dma_start3A_13 = tpu.memref_slice %arg4[%dma_start3A_12, %mul3A_2] : memref<1x32768xf32, #tpu.memory_space<hbm>> -> memref<1x1024xf32, #tpu.memory_space<hbm>>
    %dma_start3A_14 = tpu.memref_squeeze %dma_start3A_13 : memref<1x1024xf32, #tpu.memory_space<hbm>> -> memref<1024xf32, #tpu.memory_space<hbm>>
    %dma_start3A_15 = tpu.memref_slice %arg4[%dma_start3A_12, %mul3A_2] : memref<1x32768xf32, #tpu.memory_space<hbm>> -> memref<1x1024xf32, #tpu.memory_space<hbm>>
    %dma_start3A_16 = tpu.memref_squeeze %dma_start3A_15 : memref<1x1024xf32, #tpu.memory_space<hbm>> -> memref<1024xf32, #tpu.memory_space<hbm>>
    tpu.enqueue_dma source(%dma_start3A_16 : memref<1024xf32, #tpu.memory_space<hbm>>) target(%arg12 : memref<1024xf32, #tpu.memory_space<vmem>>) target_semaphore(%arg19 : memref<!tpu.dma_semaphore, #tpu.memory_space<semaphore_mem>>)
    %dma_start3A_17 = arith.constant 0 : i32
    %dma_start3A_18 = tpu.memref_slice %arg5[%dma_start3A_17, %mul3A_2] : memref<1x32768xf32, #tpu.memory_space<hbm>> -> memref<1x1024xf32, #tpu.memory_space<hbm>>
    %dma_start3A_19 = tpu.memref_squeeze %dma_start3A_18 : memref<1x1024xf32, #tpu.memory_space<hbm>> -> memref<1024xf32, #tpu.memory_space<hbm>>
    %dma_start3A_20 = tpu.memref_slice %arg5[%dma_start3A_17, %mul3A_2] : memref<1x32768xf32, #tpu.memory_space<hbm>> -> memref<1x1024xf32, #tpu.memory_space<hbm>>
    %dma_start3A_21 = tpu.memref_squeeze %dma_start3A_20 : memref<1x1024xf32, #tpu.memory_space<hbm>> -> memref<1024xf32, #tpu.memory_space<hbm>>
    tpu.enqueue_dma source(%dma_start3A_21 : memref<1024xf32, #tpu.memory_space<hbm>>) target(%arg13 : memref<1024xf32, #tpu.memory_space<vmem>>) target_semaphore(%arg19 : memref<!tpu.dma_semaphore, #tpu.memory_space<semaphore_mem>>)
    %dma_start3A_22 = arith.constant 0 : i32
    %dma_start3A_23 = tpu.memref_slice %arg6[%dma_start3A_22, %mul3A_2] : memref<1x32768xf32, #tpu.memory_space<hbm>> -> memref<1x1024xf32, #tpu.memory_space<hbm>>
    %dma_start3A_24 = tpu.memref_squeeze %dma_start3A_23 : memref<1x1024xf32, #tpu.memory_space<hbm>> -> memref<1024xf32, #tpu.memory_space<hbm>>
    %dma_start3A_25 = tpu.memref_slice %arg6[%dma_start3A_22, %mul3A_2] : memref<1x32768xf32, #tpu.memory_space<hbm>> -> memref<1x1024xf32, #tpu.memory_space<hbm>>
    %dma_start3A_26 = tpu.memref_squeeze %dma_start3A_25 : memref<1x1024xf32, #tpu.memory_space<hbm>> -> memref<1024xf32, #tpu.memory_space<hbm>>
    tpu.enqueue_dma source(%dma_start3A_26 : memref<1024xf32, #tpu.memory_space<hbm>>) target(%arg14 : memref<1024xf32, #tpu.memory_space<vmem>>) target_semaphore(%arg19 : memref<!tpu.dma_semaphore, #tpu.memory_space<semaphore_mem>>)
    %dma_start3A_27 = arith.constant 0 : i32
    %dma_start3A_28 = tpu.memref_slice %arg7[%dma_start3A_27, %mul3A_2] : memref<1x32768xf32, #tpu.memory_space<hbm>> -> memref<1x1024xf32, #tpu.memory_space<hbm>>
    %dma_start3A_29 = tpu.memref_squeeze %dma_start3A_28 : memref<1x1024xf32, #tpu.memory_space<hbm>> -> memref<1024xf32, #tpu.memory_space<hbm>>
    %dma_start3A_30 = tpu.memref_slice %arg7[%dma_start3A_27, %mul3A_2] : memref<1x32768xf32, #tpu.memory_space<hbm>> -> memref<1x1024xf32, #tpu.memory_space<hbm>>
    %dma_start3A_31 = tpu.memref_squeeze %dma_start3A_30 : memref<1x1024xf32, #tpu.memory_space<hbm>> -> memref<1024xf32, #tpu.memory_space<hbm>>
    tpu.enqueue_dma source(%dma_start3A_31 : memref<1024xf32, #tpu.memory_space<hbm>>) target(%arg15 : memref<1024xf32, #tpu.memory_space<vmem>>) target_semaphore(%arg19 : memref<!tpu.dma_semaphore, #tpu.memory_space<semaphore_mem>>)
    tpu.enqueue_dma source(%arg8 : memref<64x1xf32, #tpu.memory_space<hbm>>) target(%arg16 : memref<64x1xf32, #tpu.memory_space<vmem>>) target_semaphore(%arg19 : memref<!tpu.dma_semaphore, #tpu.memory_space<semaphore_mem>>)
    %broadcast_in_dim3A = arith.constant 0.000000e+00 : f32
    %broadcast_in_dim3A_32 = vector.broadcast %broadcast_in_dim3A : f32 to vector<16xf32>
    %parallel_loop3A = arith.constant 0 : i32
    %parallel_loop3A_33 = arith.constant 128 : i32
    %parallel_loop3A_34 = arith.constant 1 : i32
    scf.for %parallel_loop3A_191 = %parallel_loop3A to %parallel_loop3A_33 step %parallel_loop3A_34  : i32 {
      %parallel_loop3A_192 = arith.index_cast %parallel_loop3A_191 : i32 to index
      %parallel_loop3A_193 = arith.constant 0 : index
      %parallel_loop3A_194 = tpu.vector_load %arg17[%parallel_loop3A_192, %parallel_loop3A_193] {strides = array<i32>} : memref<128x64xf32, #tpu.memory_space<vmem>>, vector<16xf32>,
      tpu.vector_store %arg17[%parallel_loop3A_192, %parallel_loop3A_193], %broadcast_in_dim3A_32 {strides = array<i32>} : memref<128x64xf32, #tpu.memory_space<vmem>>, vector<16xf32>,
      %parallel_loop3A_195 = arith.index_cast %parallel_loop3A_191 : i32 to index
      %parallel_loop3A_196 = arith.constant 16 : index
      %parallel_loop3A_197 = tpu.vector_load %arg17[%parallel_loop3A_195, %parallel_loop3A_196] {strides = array<i32>} : memref<128x64xf32, #tpu.memory_space<vmem>>, vector<16xf32>,
      tpu.vector_store %arg17[%parallel_loop3A_195, %parallel_loop3A_196], %broadcast_in_dim3A_32 {strides = array<i32>} : memref<128x64xf32, #tpu.memory_space<vmem>>, vector<16xf32>,
      %parallel_loop3A_198 = arith.index_cast %parallel_loop3A_191 : i32 to index
      %parallel_loop3A_199 = arith.constant 32 : index
      %parallel_loop3A_200 = tpu.vector_load %arg17[%parallel_loop3A_198, %parallel_loop3A_199] {strides = array<i32>} : memref<128x64xf32, #tpu.memory_space<vmem>>, vector<16xf32>,
      tpu.vector_store %arg17[%parallel_loop3A_198, %parallel_loop3A_199], %broadcast_in_dim3A_32 {strides = array<i32>} : memref<128x64xf32, #tpu.memory_space<vmem>>, vector<16xf32>,
      %parallel_loop3A_201 = arith.index_cast %parallel_loop3A_191 : i32 to index
      %parallel_loop3A_202 = arith.constant 48 : index
      %parallel_loop3A_203 = tpu.vector_load %arg17[%parallel_loop3A_201, %parallel_loop3A_202] {strides = array<i32>} : memref<128x64xf32, #tpu.memory_space<vmem>>, vector<16xf32>,
      tpu.vector_store %arg17[%parallel_loop3A_201, %parallel_loop3A_202], %broadcast_in_dim3A_32 {strides = array<i32>} : memref<128x64xf32, #tpu.memory_space<vmem>>, vector<16xf32>,
    } {sc.loop_unroll_factor = 8 : i64, sc.parallel_access}
    %parallel_loop3A_35 = arith.constant 0 : i32
    %parallel_loop3A_36 = arith.constant 128 : i32
    %parallel_loop3A_37 = arith.constant 1 : i32
    scf.for %parallel_loop3A_191 = %parallel_loop3A_35 to %parallel_loop3A_36 step %parallel_loop3A_37  : i32 {
      %parallel_loop3A_192 = arith.index_cast %parallel_loop3A_191 : i32 to index
      %parallel_loop3A_193 = arith.constant 0 : index
      %parallel_loop3A_194 = tpu.vector_load %arg18[%parallel_loop3A_192, %parallel_loop3A_193] {strides = array<i32>} : memref<128x64xf32, #tpu.memory_space<vmem>>, vector<16xf32>,
      tpu.vector_store %arg18[%parallel_loop3A_192, %parallel_loop3A_193], %broadcast_in_dim3A_32 {strides = array<i32>} : memref<128x64xf32, #tpu.memory_space<vmem>>, vector<16xf32>,
      %parallel_loop3A_195 = arith.index_cast %parallel_loop3A_191 : i32 to index
      %parallel_loop3A_196 = arith.constant 16 : index
      %parallel_loop3A_197 = tpu.vector_load %arg18[%parallel_loop3A_195, %parallel_loop3A_196] {strides = array<i32>} : memref<128x64xf32, #tpu.memory_space<vmem>>, vector<16xf32>,
      tpu.vector_store %arg18[%parallel_loop3A_195, %parallel_loop3A_196], %broadcast_in_dim3A_32 {strides = array<i32>} : memref<128x64xf32, #tpu.memory_space<vmem>>, vector<16xf32>,
      %parallel_loop3A_198 = arith.index_cast %parallel_loop3A_191 : i32 to index
      %parallel_loop3A_199 = arith.constant 32 : index
      %parallel_loop3A_200 = tpu.vector_load %arg18[%parallel_loop3A_198, %parallel_loop3A_199] {strides = array<i32>} : memref<128x64xf32, #tpu.memory_space<vmem>>, vector<16xf32>,
      tpu.vector_store %arg18[%parallel_loop3A_198, %parallel_loop3A_199], %broadcast_in_dim3A_32 {strides = array<i32>} : memref<128x64xf32, #tpu.memory_space<vmem>>, vector<16xf32>,
      %parallel_loop3A_201 = arith.index_cast %parallel_loop3A_191 : i32 to index
      %parallel_loop3A_202 = arith.constant 48 : index
      %parallel_loop3A_203 = tpu.vector_load %arg18[%parallel_loop3A_201, %parallel_loop3A_202] {strides = array<i32>} : memref<128x64xf32, #tpu.memory_space<vmem>>, vector<16xf32>,
      tpu.vector_store %arg18[%parallel_loop3A_201, %parallel_loop3A_202], %broadcast_in_dim3A_32 {strides = array<i32>} : memref<128x64xf32, #tpu.memory_space<vmem>>, vector<16xf32>,
    } {sc.loop_unroll_factor = 8 : i64, sc.parallel_access}
    %dma_wait3A = arith.constant 0 : i32
    %dma_wait3A_38 = tpu.memref_slice %arg2[%dma_wait3A, %mul3A_2] : memref<1x32768xf32, #tpu.memory_space<hbm>> -> memref<1x1024xf32, #tpu.memory_space<hbm>>
    %dma_wait3A_39 = tpu.memref_squeeze %dma_wait3A_38 : memref<1x1024xf32, #tpu.memory_space<hbm>> -> memref<1024xf32, #tpu.memory_space<hbm>>
    %dma_wait3A_40 = tpu.memref_slice %arg2[%dma_wait3A, %mul3A_2] : memref<1x32768xf32, #tpu.memory_space<hbm>> -> memref<1x1024xf32, #tpu.memory_space<hbm>>
    %dma_wait3A_41 = tpu.memref_squeeze %dma_wait3A_40 : memref<1x1024xf32, #tpu.memory_space<hbm>> -> memref<1024xf32, #tpu.memory_space<hbm>>
    tpu.wait_dma2 semaphore(%arg19 : memref<!tpu.dma_semaphore, #tpu.memory_space<semaphore_mem>>) src(%dma_wait3A_41 : memref<1024xf32, #tpu.memory_space<hbm>>) dst(%arg10 : memref<1024xf32, #tpu.memory_space<vmem>>)
    %dma_wait3A_42 = arith.constant 0 : i32
    %dma_wait3A_43 = tpu.memref_slice %arg3[%dma_wait3A_42, %mul3A_2] : memref<1x32768xf32, #tpu.memory_space<hbm>> -> memref<1x1024xf32, #tpu.memory_space<hbm>>
    %dma_wait3A_44 = tpu.memref_squeeze %dma_wait3A_43 : memref<1x1024xf32, #tpu.memory_space<hbm>> -> memref<1024xf32, #tpu.memory_space<hbm>>
    %dma_wait3A_45 = tpu.memref_slice %arg3[%dma_wait3A_42, %mul3A_2] : memref<1x32768xf32, #tpu.memory_space<hbm>> -> memref<1x1024xf32, #tpu.memory_space<hbm>>
    %dma_wait3A_46 = tpu.memref_squeeze %dma_wait3A_45 : memref<1x1024xf32, #tpu.memory_space<hbm>> -> memref<1024xf32, #tpu.memory_space<hbm>>
    tpu.wait_dma2 semaphore(%arg19 : memref<!tpu.dma_semaphore, #tpu.memory_space<semaphore_mem>>) src(%dma_wait3A_46 : memref<1024xf32, #tpu.memory_space<hbm>>) dst(%arg11 : memref<1024xf32, #tpu.memory_space<vmem>>)
    %dma_wait3A_47 = arith.constant 0 : i32
    %dma_wait3A_48 = tpu.memref_slice %arg4[%dma_wait3A_47, %mul3A_2] : memref<1x32768xf32, #tpu.memory_space<hbm>> -> memref<1x1024xf32, #tpu.memory_space<hbm>>
    %dma_wait3A_49 = tpu.memref_squeeze %dma_wait3A_48 : memref<1x1024xf32, #tpu.memory_space<hbm>> -> memref<1024xf32, #tpu.memory_space<hbm>>
    %dma_wait3A_50 = tpu.memref_slice %arg4[%dma_wait3A_47, %mul3A_2] : memref<1x32768xf32, #tpu.memory_space<hbm>> -> memref<1x1024xf32, #tpu.memory_space<hbm>>
    %dma_wait3A_51 = tpu.memref_squeeze %dma_wait3A_50 : memref<1x1024xf32, #tpu.memory_space<hbm>> -> memref<1024xf32, #tpu.memory_space<hbm>>
    tpu.wait_dma2 semaphore(%arg19 : memref<!tpu.dma_semaphore, #tpu.memory_space<semaphore_mem>>) src(%dma_wait3A_51 : memref<1024xf32, #tpu.memory_space<hbm>>) dst(%arg12 : memref<1024xf32, #tpu.memory_space<vmem>>)
    %dma_wait3A_52 = arith.constant 0 : i32
    %dma_wait3A_53 = tpu.memref_slice %arg5[%dma_wait3A_52, %mul3A_2] : memref<1x32768xf32, #tpu.memory_space<hbm>> -> memref<1x1024xf32, #tpu.memory_space<hbm>>
    %dma_wait3A_54 = tpu.memref_squeeze %dma_wait3A_53 : memref<1x1024xf32, #tpu.memory_space<hbm>> -> memref<1024xf32, #tpu.memory_space<hbm>>
    %dma_wait3A_55 = tpu.memref_slice %arg5[%dma_wait3A_52, %mul3A_2] : memref<1x32768xf32, #tpu.memory_space<hbm>> -> memref<1x1024xf32, #tpu.memory_space<hbm>>
    %dma_wait3A_56 = tpu.memref_squeeze %dma_wait3A_55 : memref<1x1024xf32, #tpu.memory_space<hbm>> -> memref<1024xf32, #tpu.memory_space<hbm>>
    tpu.wait_dma2 semaphore(%arg19 : memref<!tpu.dma_semaphore, #tpu.memory_space<semaphore_mem>>) src(%dma_wait3A_56 : memref<1024xf32, #tpu.memory_space<hbm>>) dst(%arg13 : memref<1024xf32, #tpu.memory_space<vmem>>)
    %dma_wait3A_57 = arith.constant 0 : i32
    %dma_wait3A_58 = tpu.memref_slice %arg6[%dma_wait3A_57, %mul3A_2] : memref<1x32768xf32, #tpu.memory_space<hbm>> -> memref<1x1024xf32, #tpu.memory_space<hbm>>
    %dma_wait3A_59 = tpu.memref_squeeze %dma_wait3A_58 : memref<1x1024xf32, #tpu.memory_space<hbm>> -> memref<1024xf32, #tpu.memory_space<hbm>>
    %dma_wait3A_60 = tpu.memref_slice %arg6[%dma_wait3A_57, %mul3A_2] : memref<1x32768xf32, #tpu.memory_space<hbm>> -> memref<1x1024xf32, #tpu.memory_space<hbm>>
    %dma_wait3A_61 = tpu.memref_squeeze %dma_wait3A_60 : memref<1x1024xf32, #tpu.memory_space<hbm>> -> memref<1024xf32, #tpu.memory_space<hbm>>
    tpu.wait_dma2 semaphore(%arg19 : memref<!tpu.dma_semaphore, #tpu.memory_space<semaphore_mem>>) src(%dma_wait3A_61 : memref<1024xf32, #tpu.memory_space<hbm>>) dst(%arg14 : memref<1024xf32, #tpu.memory_space<vmem>>)
    %dma_wait3A_62 = arith.constant 0 : i32
    %dma_wait3A_63 = tpu.memref_slice %arg7[%dma_wait3A_62, %mul3A_2] : memref<1x32768xf32, #tpu.memory_space<hbm>> -> memref<1x1024xf32, #tpu.memory_space<hbm>>
    %dma_wait3A_64 = tpu.memref_squeeze %dma_wait3A_63 : memref<1x1024xf32, #tpu.memory_space<hbm>> -> memref<1024xf32, #tpu.memory_space<hbm>>
    %dma_wait3A_65 = tpu.memref_slice %arg7[%dma_wait3A_62, %mul3A_2] : memref<1x32768xf32, #tpu.memory_space<hbm>> -> memref<1x1024xf32, #tpu.memory_space<hbm>>
    %dma_wait3A_66 = tpu.memref_squeeze %dma_wait3A_65 : memref<1x1024xf32, #tpu.memory_space<hbm>> -> memref<1024xf32, #tpu.memory_space<hbm>>
    tpu.wait_dma2 semaphore(%arg19 : memref<!tpu.dma_semaphore, #tpu.memory_space<semaphore_mem>>) src(%dma_wait3A_66 : memref<1024xf32, #tpu.memory_space<hbm>>) dst(%arg15 : memref<1024xf32, #tpu.memory_space<vmem>>)
    tpu.wait_dma2 semaphore(%arg19 : memref<!tpu.dma_semaphore, #tpu.memory_space<semaphore_mem>>) src(%arg8 : memref<64x1xf32, #tpu.memory_space<hbm>>) dst(%arg16 : memref<64x1xf32, #tpu.memory_space<vmem>>)
    %iota3A = tpu.iota {dimensions = array<i32: 0>} : vector<16xi32>
    %broadcast_in_dim3A_67 = arith.constant 0 : i32
    %broadcast_in_dim3A_68 = vector.broadcast %broadcast_in_dim3A_67 : i32 to vector<16xi32>
    %parallel_loop3A_69 = arith.constant 0 : i32
    %parallel_loop3A_70 = arith.constant 8 : i32
    %parallel_loop3A_71 = arith.constant 1 : i32
    scf.for %parallel_loop3A_191 = %parallel_loop3A_69 to %parallel_loop3A_70 step %parallel_loop3A_71  : i32 {
      %parallel_loop3A_192 = arith.constant 0 : i32
      %parallel_loop3A_193 = arith.addi %parallel_loop3A_192, %parallel_loop3A_191 : i32
      %parallel_loop3A_194 = arith.constant 16 : i32
      %parallel_loop3A_195 = arith.muli %parallel_loop3A_193, %parallel_loop3A_194 : i32
      %parallel_loop3A_196 = arith.index_cast %parallel_loop3A_195 : i32 to index
      %parallel_loop3A_197 = tpu.vector_load %arg10[%parallel_loop3A_196] {strides = array<i32>} : memref<1024xf32, #tpu.memory_space<vmem>>, vector<16xf32>,
      %parallel_loop3A_198 = arith.fptosi %parallel_loop3A_197 : vector<16xf32> to vector<16xi32>
      %parallel_loop3A_199 = arith.index_cast %parallel_loop3A_195 : i32 to index
      %parallel_loop3A_200 = tpu.vector_load %arg11[%parallel_loop3A_199] {strides = array<i32>} : memref<1024xf32, #tpu.memory_space<vmem>>, vector<16xf32>,
      %parallel_loop3A_201 = arith.fptosi %parallel_loop3A_200 : vector<16xf32> to vector<16xi32>
      %parallel_loop3A_202 = arith.index_cast %parallel_loop3A_195 : i32 to index
      %parallel_loop3A_203 = tpu.vector_load %arg14[%parallel_loop3A_202] {strides = array<i32>} : memref<1024xf32, #tpu.memory_space<vmem>>, vector<16xf32>,
      %parallel_loop3A_204 = arith.constant 5.120000e+02 : f32
      %parallel_loop3A_205 = vector.broadcast %parallel_loop3A_204 : f32 to vector<16xf32>
      %parallel_loop3A_206 = arith.cmpf olt, %parallel_loop3A_203, %parallel_loop3A_205 : vector<16xf32>
      %parallel_loop3A_207 = tpu.vector_load_idx %arg16[%parallel_loop3A_201, %broadcast_in_dim3A_68] : memref<64x1xf32, #tpu.memory_space<vmem>>[vector<16xi32>, vector<16xi32>], vector<16xf32>,
      %parallel_loop3A_208 = arith.index_cast %parallel_loop3A_195 : i32 to index
      %parallel_loop3A_209 = tpu.vector_load %arg15[%parallel_loop3A_208] {strides = array<i32>} : memref<1024xf32, #tpu.memory_space<vmem>>, vector<16xf32>,
      %parallel_loop3A_210 = arith.addf %parallel_loop3A_207, %parallel_loop3A_209 : vector<16xf32>
      %parallel_loop3A_211 = arith.constant 5.120000e+02 : f32
      %parallel_loop3A_212 = vector.broadcast %parallel_loop3A_211 : f32 to vector<16xf32>
      %parallel_loop3A_213 = arith.cmpf olt, %parallel_loop3A_210, %parallel_loop3A_212 : vector<16xf32>
      %parallel_loop3A_214 = arith.constant 16 : i32
      %parallel_loop3A_215 = arith.muli %parallel_loop3A_191, %parallel_loop3A_214 : i32
      %parallel_loop3A_216 = vector.broadcast %parallel_loop3A_215 : i32 to vector<16xi32>
      %parallel_loop3A_217 = arith.addi %parallel_loop3A_216, %iota3A : vector<16xi32>
      %parallel_loop3A_218 = arith.index_cast %parallel_loop3A_195 : i32 to index
      %parallel_loop3A_219 = tpu.vector_load %arg12[%parallel_loop3A_218] {strides = array<i32>} : memref<1024xf32, #tpu.memory_space<vmem>>, vector<16xf32>,
      tpu.vector_store_idx %arg17[%parallel_loop3A_217, %parallel_loop3A_198], %parallel_loop3A_219 masked %parallel_loop3A_206 : memref<128x64xf32, #tpu.memory_space<vmem>>[vector<16xi32>, vector<16xi32>], vector<16xf32>, vector<16xi1>
      %parallel_loop3A_220 = arith.index_cast %parallel_loop3A_195 : i32 to index
      %parallel_loop3A_221 = tpu.vector_load %arg13[%parallel_loop3A_220] {strides = array<i32>} : memref<1024xf32, #tpu.memory_space<vmem>>, vector<16xf32>,
      tpu.vector_store_idx %arg17[%parallel_loop3A_217, %parallel_loop3A_201], %parallel_loop3A_221 masked %parallel_loop3A_213 : memref<128x64xf32, #tpu.memory_space<vmem>>[vector<16xi32>, vector<16xi32>], vector<16xf32>, vector<16xi1>
    } {sc.loop_unroll_factor = 4 : i64, sc.parallel_access}
    %add3A_72 = arith.constant 0 : i32
    %add3A_73 = arith.addi %mul3A_2, %add3A_72 : i32
    %dma_start3A_74 = arith.constant 0 : i32
    %dma_start3A_75 = tpu.memref_slice %arg9[%add3A_73, %dma_start3A_74] : memref<32768x64xf32, #tpu.memory_space<hbm>> -> memref<128x64xf32, #tpu.memory_space<hbm>>
    %dma_start3A_76 = arith.constant 0 : i32
    %dma_start3A_77 = tpu.memref_slice %arg9[%add3A_73, %dma_start3A_76] : memref<32768x64xf32, #tpu.memory_space<hbm>> -> memref<128x64xf32, #tpu.memory_space<hbm>>
    tpu.enqueue_dma source(%arg17 : memref<128x64xf32, #tpu.memory_space<vmem>>) target(%dma_start3A_77 : memref<128x64xf32, #tpu.memory_space<hbm>>) target_semaphore(%arg20 : memref<!tpu.dma_semaphore, #tpu.memory_space<semaphore_mem>>)
    %parallel_loop3A_78 = arith.constant 0 : i32
    %parallel_loop3A_79 = arith.constant 8 : i32
    %parallel_loop3A_80 = arith.constant 1 : i32
    scf.for %parallel_loop3A_191 = %parallel_loop3A_78 to %parallel_loop3A_79 step %parallel_loop3A_80  : i32 {
      %parallel_loop3A_192 = arith.constant 8 : i32
      %parallel_loop3A_193 = arith.addi %parallel_loop3A_192, %parallel_loop3A_191 : i32
      %parallel_loop3A_194 = arith.constant 16 : i32
      %parallel_loop3A_195 = arith.muli %parallel_loop3A_193, %parallel_loop3A_194 : i32
      %parallel_loop3A_196 = arith.index_cast %parallel_loop3A_195 : i32 to index
      %parallel_loop3A_197 = tpu.vector_load %arg10[%parallel_loop3A_196] {strides = array<i32>} : memref<1024xf32, #tpu.memory_space<vmem>>, vector<16xf32>,
      %parallel_loop3A_198 = arith.fptosi %parallel_loop3A_197 : vector<16xf32> to vector<16xi32>
      %parallel_loop3A_199 = arith.index_cast %parallel_loop3A_195 : i32 to index
      %parallel_loop3A_200 = tpu.vector_load %arg11[%parallel_loop3A_199] {strides = array<i32>} : memref<1024xf32, #tpu.memory_space<vmem>>, vector<16xf32>,
      %parallel_loop3A_201 = arith.fptosi %parallel_loop3A_200 : vector<16xf32> to vector<16xi32>
      %parallel_loop3A_202 = arith.index_cast %parallel_loop3A_195 : i32 to index
      %parallel_loop3A_203 = tpu.vector_load %arg14[%parallel_loop3A_202] {strides = array<i32>} : memref<1024xf32, #tpu.memory_space<vmem>>, vector<16xf32>,
      %parallel_loop3A_204 = arith.constant 5.120000e+02 : f32
      %parallel_loop3A_205 = vector.broadcast %parallel_loop3A_204 : f32 to vector<16xf32>
      %parallel_loop3A_206 = arith.cmpf olt, %parallel_loop3A_203, %parallel_loop3A_205 : vector<16xf32>
      %parallel_loop3A_207 = tpu.vector_load_idx %arg16[%parallel_loop3A_201, %broadcast_in_dim3A_68] : memref<64x1xf32, #tpu.memory_space<vmem>>[vector<16xi32>, vector<16xi32>], vector<16xf32>,
      %parallel_loop3A_208 = arith.index_cast %parallel_loop3A_195 : i32 to index
      %parallel_loop3A_209 = tpu.vector_load %arg15[%parallel_loop3A_208] {strides = array<i32>} : memref<1024xf32, #tpu.memory_space<vmem>>, vector<16xf32>,
      %parallel_loop3A_210 = arith.addf %parallel_loop3A_207, %parallel_loop3A_209 : vector<16xf32>
      %parallel_loop3A_211 = arith.constant 5.120000e+02 : f32
      %parallel_loop3A_212 = vector.broadcast %parallel_loop3A_211 : f32 to vector<16xf32>
      %parallel_loop3A_213 = arith.cmpf olt, %parallel_loop3A_210, %parallel_loop3A_212 : vector<16xf32>
      %parallel_loop3A_214 = arith.constant 16 : i32
      %parallel_loop3A_215 = arith.muli %parallel_loop3A_191, %parallel_loop3A_214 : i32
      %parallel_loop3A_216 = vector.broadcast %parallel_loop3A_215 : i32 to vector<16xi32>
      %parallel_loop3A_217 = arith.addi %parallel_loop3A_216, %iota3A : vector<16xi32>
      %parallel_loop3A_218 = arith.index_cast %parallel_loop3A_195 : i32 to index
      %parallel_loop3A_219 = tpu.vector_load %arg12[%parallel_loop3A_218] {strides = array<i32>} : memref<1024xf32, #tpu.memory_space<vmem>>, vector<16xf32>,
      tpu.vector_store_idx %arg18[%parallel_loop3A_217, %parallel_loop3A_198], %parallel_loop3A_219 masked %parallel_loop3A_206 : memref<128x64xf32, #tpu.memory_space<vmem>>[vector<16xi32>, vector<16xi32>], vector<16xf32>, vector<16xi1>
      %parallel_loop3A_220 = arith.index_cast %parallel_loop3A_195 : i32 to index
      %parallel_loop3A_221 = tpu.vector_load %arg13[%parallel_loop3A_220] {strides = array<i32>} : memref<1024xf32, #tpu.memory_space<vmem>>, vector<16xf32>,
      tpu.vector_store_idx %arg18[%parallel_loop3A_217, %parallel_loop3A_201], %parallel_loop3A_221 masked %parallel_loop3A_213 : memref<128x64xf32, #tpu.memory_space<vmem>>[vector<16xi32>, vector<16xi32>], vector<16xf32>, vector<16xi1>
    } {sc.loop_unroll_factor = 4 : i64, sc.parallel_access}
    %add3A_81 = arith.constant 128 : i32
    %add3A_82 = arith.addi %mul3A_2, %add3A_81 : i32
    %dma_start3A_83 = arith.constant 0 : i32
    %dma_start3A_84 = tpu.memref_slice %arg9[%add3A_82, %dma_start3A_83] : memref<32768x64xf32, #tpu.memory_space<hbm>> -> memref<128x64xf32, #tpu.memory_space<hbm>>
    %dma_start3A_85 = arith.constant 0 : i32
    %dma_start3A_86 = tpu.memref_slice %arg9[%add3A_82, %dma_start3A_85] : memref<32768x64xf32, #tpu.memory_space<hbm>> -> memref<128x64xf32, #tpu.memory_space<hbm>>
    tpu.enqueue_dma source(%arg18 : memref<128x64xf32, #tpu.memory_space<vmem>>) target(%dma_start3A_86 : memref<128x64xf32, #tpu.memory_space<hbm>>) target_semaphore(%arg20 : memref<!tpu.dma_semaphore, #tpu.memory_space<semaphore_mem>>)
    %dma_wait3A_87 = arith.constant 0 : i32
    %dma_wait3A_88 = tpu.memref_slice %arg9[%add3A_73, %dma_wait3A_87] : memref<32768x64xf32, #tpu.memory_space<hbm>> -> memref<128x64xf32, #tpu.memory_space<hbm>>
    %dma_wait3A_89 = arith.constant 0 : i32
    %dma_wait3A_90 = tpu.memref_slice %arg9[%add3A_73, %dma_wait3A_89] : memref<32768x64xf32, #tpu.memory_space<hbm>> -> memref<128x64xf32, #tpu.memory_space<hbm>>
    tpu.wait_dma2 semaphore(%arg20 : memref<!tpu.dma_semaphore, #tpu.memory_space<semaphore_mem>>) src(%arg17 : memref<128x64xf32, #tpu.memory_space<vmem>>) dst(%dma_wait3A_90 : memref<128x64xf32, #tpu.memory_space<hbm>>)
    %parallel_loop3A_91 = arith.constant 0 : i32
    %parallel_loop3A_92 = arith.constant 128 : i32
    %parallel_loop3A_93 = arith.constant 1 : i32
    scf.for %parallel_loop3A_191 = %parallel_loop3A_91 to %parallel_loop3A_92 step %parallel_loop3A_93  : i32 {
      %parallel_loop3A_192 = arith.index_cast %parallel_loop3A_191 : i32 to index
      %parallel_loop3A_193 = arith.constant 0 : index
      %parallel_loop3A_194 = tpu.vector_load %arg17[%parallel_loop3A_192, %parallel_loop3A_193] {strides = array<i32>} : memref<128x64xf32, #tpu.memory_space<vmem>>, vector<16xf32>,
      tpu.vector_store %arg17[%parallel_loop3A_192, %parallel_loop3A_193], %broadcast_in_dim3A_32 {strides = array<i32>} : memref<128x64xf32, #tpu.memory_space<vmem>>, vector<16xf32>,
      %parallel_loop3A_195 = arith.index_cast %parallel_loop3A_191 : i32 to index
      %parallel_loop3A_196 = arith.constant 16 : index
      %parallel_loop3A_197 = tpu.vector_load %arg17[%parallel_loop3A_195, %parallel_loop3A_196] {strides = array<i32>} : memref<128x64xf32, #tpu.memory_space<vmem>>, vector<16xf32>,
      tpu.vector_store %arg17[%parallel_loop3A_195, %parallel_loop3A_196], %broadcast_in_dim3A_32 {strides = array<i32>} : memref<128x64xf32, #tpu.memory_space<vmem>>, vector<16xf32>,
      %parallel_loop3A_198 = arith.index_cast %parallel_loop3A_191 : i32 to index
      %parallel_loop3A_199 = arith.constant 32 : index
      %parallel_loop3A_200 = tpu.vector_load %arg17[%parallel_loop3A_198, %parallel_loop3A_199] {strides = array<i32>} : memref<128x64xf32, #tpu.memory_space<vmem>>, vector<16xf32>,
      tpu.vector_store %arg17[%parallel_loop3A_198, %parallel_loop3A_199], %broadcast_in_dim3A_32 {strides = array<i32>} : memref<128x64xf32, #tpu.memory_space<vmem>>, vector<16xf32>,
      %parallel_loop3A_201 = arith.index_cast %parallel_loop3A_191 : i32 to index
      %parallel_loop3A_202 = arith.constant 48 : index
      %parallel_loop3A_203 = tpu.vector_load %arg17[%parallel_loop3A_201, %parallel_loop3A_202] {strides = array<i32>} : memref<128x64xf32, #tpu.memory_space<vmem>>, vector<16xf32>,
      tpu.vector_store %arg17[%parallel_loop3A_201, %parallel_loop3A_202], %broadcast_in_dim3A_32 {strides = array<i32>} : memref<128x64xf32, #tpu.memory_space<vmem>>, vector<16xf32>,
    } {sc.loop_unroll_factor = 8 : i64, sc.parallel_access}
    %parallel_loop3A_94 = arith.constant 0 : i32
    %parallel_loop3A_95 = arith.constant 8 : i32
    %parallel_loop3A_96 = arith.constant 1 : i32
    scf.for %parallel_loop3A_191 = %parallel_loop3A_94 to %parallel_loop3A_95 step %parallel_loop3A_96  : i32 {
      %parallel_loop3A_192 = arith.constant 16 : i32
      %parallel_loop3A_193 = arith.addi %parallel_loop3A_192, %parallel_loop3A_191 : i32
      %parallel_loop3A_194 = arith.constant 16 : i32
      %parallel_loop3A_195 = arith.muli %parallel_loop3A_193, %parallel_loop3A_194 : i32
      %parallel_loop3A_196 = arith.index_cast %parallel_loop3A_195 : i32 to index
      %parallel_loop3A_197 = tpu.vector_load %arg10[%parallel_loop3A_196] {strides = array<i32>} : memref<1024xf32, #tpu.memory_space<vmem>>, vector<16xf32>,
      %parallel_loop3A_198 = arith.fptosi %parallel_loop3A_197 : vector<16xf32> to vector<16xi32>
      %parallel_loop3A_199 = arith.index_cast %parallel_loop3A_195 : i32 to index
      %parallel_loop3A_200 = tpu.vector_load %arg11[%parallel_loop3A_199] {strides = array<i32>} : memref<1024xf32, #tpu.memory_space<vmem>>, vector<16xf32>,
      %parallel_loop3A_201 = arith.fptosi %parallel_loop3A_200 : vector<16xf32> to vector<16xi32>
      %parallel_loop3A_202 = arith.index_cast %parallel_loop3A_195 : i32 to index
      %parallel_loop3A_203 = tpu.vector_load %arg14[%parallel_loop3A_202] {strides = array<i32>} : memref<1024xf32, #tpu.memory_space<vmem>>, vector<16xf32>,
      %parallel_loop3A_204 = arith.constant 5.120000e+02 : f32
      %parallel_loop3A_205 = vector.broadcast %parallel_loop3A_204 : f32 to vector<16xf32>
      %parallel_loop3A_206 = arith.cmpf olt, %parallel_loop3A_203, %parallel_loop3A_205 : vector<16xf32>
      %parallel_loop3A_207 = tpu.vector_load_idx %arg16[%parallel_loop3A_201, %broadcast_in_dim3A_68] : memref<64x1xf32, #tpu.memory_space<vmem>>[vector<16xi32>, vector<16xi32>], vector<16xf32>,
      %parallel_loop3A_208 = arith.index_cast %parallel_loop3A_195 : i32 to index
      %parallel_loop3A_209 = tpu.vector_load %arg15[%parallel_loop3A_208] {strides = array<i32>} : memref<1024xf32, #tpu.memory_space<vmem>>, vector<16xf32>,
      %parallel_loop3A_210 = arith.addf %parallel_loop3A_207, %parallel_loop3A_209 : vector<16xf32>
      %parallel_loop3A_211 = arith.constant 5.120000e+02 : f32
      %parallel_loop3A_212 = vector.broadcast %parallel_loop3A_211 : f32 to vector<16xf32>
      %parallel_loop3A_213 = arith.cmpf olt, %parallel_loop3A_210, %parallel_loop3A_212 : vector<16xf32>
      %parallel_loop3A_214 = arith.constant 16 : i32
      %parallel_loop3A_215 = arith.muli %parallel_loop3A_191, %parallel_loop3A_214 : i32
      %parallel_loop3A_216 = vector.broadcast %parallel_loop3A_215 : i32 to vector<16xi32>
      %parallel_loop3A_217 = arith.addi %parallel_loop3A_216, %iota3A : vector<16xi32>
      %parallel_loop3A_218 = arith.index_cast %parallel_loop3A_195 : i32 to index
      %parallel_loop3A_219 = tpu.vector_load %arg12[%parallel_loop3A_218] {strides = array<i32>} : memref<1024xf32, #tpu.memory_space<vmem>>, vector<16xf32>,
      tpu.vector_store_idx %arg17[%parallel_loop3A_217, %parallel_loop3A_198], %parallel_loop3A_219 masked %parallel_loop3A_206 : memref<128x64xf32, #tpu.memory_space<vmem>>[vector<16xi32>, vector<16xi32>], vector<16xf32>, vector<16xi1>
      %parallel_loop3A_220 = arith.index_cast %parallel_loop3A_195 : i32 to index
      %parallel_loop3A_221 = tpu.vector_load %arg13[%parallel_loop3A_220] {strides = array<i32>} : memref<1024xf32, #tpu.memory_space<vmem>>, vector<16xf32>,
      tpu.vector_store_idx %arg17[%parallel_loop3A_217, %parallel_loop3A_201], %parallel_loop3A_221 masked %parallel_loop3A_213 : memref<128x64xf32, #tpu.memory_space<vmem>>[vector<16xi32>, vector<16xi32>], vector<16xf32>, vector<16xi1>
    } {sc.loop_unroll_factor = 4 : i64, sc.parallel_access}
    %add3A_97 = arith.constant 256 : i32
    %add3A_98 = arith.addi %mul3A_2, %add3A_97 : i32
    %dma_start3A_99 = arith.constant 0 : i32
    %dma_start3A_100 = tpu.memref_slice %arg9[%add3A_98, %dma_start3A_99] : memref<32768x64xf32, #tpu.memory_space<hbm>> -> memref<128x64xf32, #tpu.memory_space<hbm>>
    %dma_start3A_101 = arith.constant 0 : i32
    %dma_start3A_102 = tpu.memref_slice %arg9[%add3A_98, %dma_start3A_101] : memref<32768x64xf32, #tpu.memory_space<hbm>> -> memref<128x64xf32, #tpu.memory_space<hbm>>
    tpu.enqueue_dma source(%arg17 : memref<128x64xf32, #tpu.memory_space<vmem>>) target(%dma_start3A_102 : memref<128x64xf32, #tpu.memory_space<hbm>>) target_semaphore(%arg20 : memref<!tpu.dma_semaphore, #tpu.memory_space<semaphore_mem>>)
    %dma_wait3A_103 = arith.constant 0 : i32
    %dma_wait3A_104 = tpu.memref_slice %arg9[%add3A_82, %dma_wait3A_103] : memref<32768x64xf32, #tpu.memory_space<hbm>> -> memref<128x64xf32, #tpu.memory_space<hbm>>
    %dma_wait3A_105 = arith.constant 0 : i32
    %dma_wait3A_106 = tpu.memref_slice %arg9[%add3A_82, %dma_wait3A_105] : memref<32768x64xf32, #tpu.memory_space<hbm>> -> memref<128x64xf32, #tpu.memory_space<hbm>>
    tpu.wait_dma2 semaphore(%arg20 : memref<!tpu.dma_semaphore, #tpu.memory_space<semaphore_mem>>) src(%arg18 : memref<128x64xf32, #tpu.memory_space<vmem>>) dst(%dma_wait3A_106 : memref<128x64xf32, #tpu.memory_space<hbm>>)
    %parallel_loop3A_107 = arith.constant 0 : i32
    %parallel_loop3A_108 = arith.constant 128 : i32
    %parallel_loop3A_109 = arith.constant 1 : i32
    scf.for %parallel_loop3A_191 = %parallel_loop3A_107 to %parallel_loop3A_108 step %parallel_loop3A_109  : i32 {
      %parallel_loop3A_192 = arith.index_cast %parallel_loop3A_191 : i32 to index
      %parallel_loop3A_193 = arith.constant 0 : index
      %parallel_loop3A_194 = tpu.vector_load %arg18[%parallel_loop3A_192, %parallel_loop3A_193] {strides = array<i32>} : memref<128x64xf32, #tpu.memory_space<vmem>>, vector<16xf32>,
      tpu.vector_store %arg18[%parallel_loop3A_192, %parallel_loop3A_193], %broadcast_in_dim3A_32 {strides = array<i32>} : memref<128x64xf32, #tpu.memory_space<vmem>>, vector<16xf32>,
      %parallel_loop3A_195 = arith.index_cast %parallel_loop3A_191 : i32 to index
      %parallel_loop3A_196 = arith.constant 16 : index
      %parallel_loop3A_197 = tpu.vector_load %arg18[%parallel_loop3A_195, %parallel_loop3A_196] {strides = array<i32>} : memref<128x64xf32, #tpu.memory_space<vmem>>, vector<16xf32>,
      tpu.vector_store %arg18[%parallel_loop3A_195, %parallel_loop3A_196], %broadcast_in_dim3A_32 {strides = array<i32>} : memref<128x64xf32, #tpu.memory_space<vmem>>, vector<16xf32>,
      %parallel_loop3A_198 = arith.index_cast %parallel_loop3A_191 : i32 to index
      %parallel_loop3A_199 = arith.constant 32 : index
      %parallel_loop3A_200 = tpu.vector_load %arg18[%parallel_loop3A_198, %parallel_loop3A_199] {strides = array<i32>} : memref<128x64xf32, #tpu.memory_space<vmem>>, vector<16xf32>,
      tpu.vector_store %arg18[%parallel_loop3A_198, %parallel_loop3A_199], %broadcast_in_dim3A_32 {strides = array<i32>} : memref<128x64xf32, #tpu.memory_space<vmem>>, vector<16xf32>,
      %parallel_loop3A_201 = arith.index_cast %parallel_loop3A_191 : i32 to index
      %parallel_loop3A_202 = arith.constant 48 : index
      %parallel_loop3A_203 = tpu.vector_load %arg18[%parallel_loop3A_201, %parallel_loop3A_202] {strides = array<i32>} : memref<128x64xf32, #tpu.memory_space<vmem>>, vector<16xf32>,
      tpu.vector_store %arg18[%parallel_loop3A_201, %parallel_loop3A_202], %broadcast_in_dim3A_32 {strides = array<i32>} : memref<128x64xf32, #tpu.memory_space<vmem>>, vector<16xf32>,
    } {sc.loop_unroll_factor = 8 : i64, sc.parallel_access}
    %parallel_loop3A_110 = arith.constant 0 : i32
    %parallel_loop3A_111 = arith.constant 8 : i32
    %parallel_loop3A_112 = arith.constant 1 : i32
    scf.for %parallel_loop3A_191 = %parallel_loop3A_110 to %parallel_loop3A_111 step %parallel_loop3A_112  : i32 {
      %parallel_loop3A_192 = arith.constant 24 : i32
      %parallel_loop3A_193 = arith.addi %parallel_loop3A_192, %parallel_loop3A_191 : i32
      %parallel_loop3A_194 = arith.constant 16 : i32
      %parallel_loop3A_195 = arith.muli %parallel_loop3A_193, %parallel_loop3A_194 : i32
      %parallel_loop3A_196 = arith.index_cast %parallel_loop3A_195 : i32 to index
      %parallel_loop3A_197 = tpu.vector_load %arg10[%parallel_loop3A_196] {strides = array<i32>} : memref<1024xf32, #tpu.memory_space<vmem>>, vector<16xf32>,
      %parallel_loop3A_198 = arith.fptosi %parallel_loop3A_197 : vector<16xf32> to vector<16xi32>
      %parallel_loop3A_199 = arith.index_cast %parallel_loop3A_195 : i32 to index
      %parallel_loop3A_200 = tpu.vector_load %arg11[%parallel_loop3A_199] {strides = array<i32>} : memref<1024xf32, #tpu.memory_space<vmem>>, vector<16xf32>,
      %parallel_loop3A_201 = arith.fptosi %parallel_loop3A_200 : vector<16xf32> to vector<16xi32>
      %parallel_loop3A_202 = arith.index_cast %parallel_loop3A_195 : i32 to index
      %parallel_loop3A_203 = tpu.vector_load %arg14[%parallel_loop3A_202] {strides = array<i32>} : memref<1024xf32, #tpu.memory_space<vmem>>, vector<16xf32>,
      %parallel_loop3A_204 = arith.constant 5.120000e+02 : f32
      %parallel_loop3A_205 = vector.broadcast %parallel_loop3A_204 : f32 to vector<16xf32>
      %parallel_loop3A_206 = arith.cmpf olt, %parallel_loop3A_203, %parallel_loop3A_205 : vector<16xf32>
      %parallel_loop3A_207 = tpu.vector_load_idx %arg16[%parallel_loop3A_201, %broadcast_in_dim3A_68] : memref<64x1xf32, #tpu.memory_space<vmem>>[vector<16xi32>, vector<16xi32>], vector<16xf32>,
      %parallel_loop3A_208 = arith.index_cast %parallel_loop3A_195 : i32 to index
      %parallel_loop3A_209 = tpu.vector_load %arg15[%parallel_loop3A_208] {strides = array<i32>} : memref<1024xf32, #tpu.memory_space<vmem>>, vector<16xf32>,
      %parallel_loop3A_210 = arith.addf %parallel_loop3A_207, %parallel_loop3A_209 : vector<16xf32>
      %parallel_loop3A_211 = arith.constant 5.120000e+02 : f32
      %parallel_loop3A_212 = vector.broadcast %parallel_loop3A_211 : f32 to vector<16xf32>
      %parallel_loop3A_213 = arith.cmpf olt, %parallel_loop3A_210, %parallel_loop3A_212 : vector<16xf32>
      %parallel_loop3A_214 = arith.constant 16 : i32
      %parallel_loop3A_215 = arith.muli %parallel_loop3A_191, %parallel_loop3A_214 : i32
      %parallel_loop3A_216 = vector.broadcast %parallel_loop3A_215 : i32 to vector<16xi32>
      %parallel_loop3A_217 = arith.addi %parallel_loop3A_216, %iota3A : vector<16xi32>
      %parallel_loop3A_218 = arith.index_cast %parallel_loop3A_195 : i32 to index
      %parallel_loop3A_219 = tpu.vector_load %arg12[%parallel_loop3A_218] {strides = array<i32>} : memref<1024xf32, #tpu.memory_space<vmem>>, vector<16xf32>,
      tpu.vector_store_idx %arg18[%parallel_loop3A_217, %parallel_loop3A_198], %parallel_loop3A_219 masked %parallel_loop3A_206 : memref<128x64xf32, #tpu.memory_space<vmem>>[vector<16xi32>, vector<16xi32>], vector<16xf32>, vector<16xi1>
      %parallel_loop3A_220 = arith.index_cast %parallel_loop3A_195 : i32 to index
      %parallel_loop3A_221 = tpu.vector_load %arg13[%parallel_loop3A_220] {strides = array<i32>} : memref<1024xf32, #tpu.memory_space<vmem>>, vector<16xf32>,
      tpu.vector_store_idx %arg18[%parallel_loop3A_217, %parallel_loop3A_201], %parallel_loop3A_221 masked %parallel_loop3A_213 : memref<128x64xf32, #tpu.memory_space<vmem>>[vector<16xi32>, vector<16xi32>], vector<16xf32>, vector<16xi1>
    } {sc.loop_unroll_factor = 4 : i64, sc.parallel_access}
    %add3A_113 = arith.constant 384 : i32
    %add3A_114 = arith.addi %mul3A_2, %add3A_113 : i32
    %dma_start3A_115 = arith.constant 0 : i32
    %dma_start3A_116 = tpu.memref_slice %arg9[%add3A_114, %dma_start3A_115] : memref<32768x64xf32, #tpu.memory_space<hbm>> -> memref<128x64xf32, #tpu.memory_space<hbm>>
    %dma_start3A_117 = arith.constant 0 : i32
    %dma_start3A_118 = tpu.memref_slice %arg9[%add3A_114, %dma_start3A_117] : memref<32768x64xf32, #tpu.memory_space<hbm>> -> memref<128x64xf32, #tpu.memory_space<hbm>>
    tpu.enqueue_dma source(%arg18 : memref<128x64xf32, #tpu.memory_space<vmem>>) target(%dma_start3A_118 : memref<128x64xf32, #tpu.memory_space<hbm>>) target_semaphore(%arg20 : memref<!tpu.dma_semaphore, #tpu.memory_space<semaphore_mem>>)
    %dma_wait3A_119 = arith.constant 0 : i32
    %dma_wait3A_120 = tpu.memref_slice %arg9[%add3A_98, %dma_wait3A_119] : memref<32768x64xf32, #tpu.memory_space<hbm>> -> memref<128x64xf32, #tpu.memory_space<hbm>>
    %dma_wait3A_121 = arith.constant 0 : i32
    %dma_wait3A_122 = tpu.memref_slice %arg9[%add3A_98, %dma_wait3A_121] : memref<32768x64xf32, #tpu.memory_space<hbm>> -> memref<128x64xf32, #tpu.memory_space<hbm>>
    tpu.wait_dma2 semaphore(%arg20 : memref<!tpu.dma_semaphore, #tpu.memory_space<semaphore_mem>>) src(%arg17 : memref<128x64xf32, #tpu.memory_space<vmem>>) dst(%dma_wait3A_122 : memref<128x64xf32, #tpu.memory_space<hbm>>)
    %parallel_loop3A_123 = arith.constant 0 : i32
    %parallel_loop3A_124 = arith.constant 128 : i32
    %parallel_loop3A_125 = arith.constant 1 : i32
    scf.for %parallel_loop3A_191 = %parallel_loop3A_123 to %parallel_loop3A_124 step %parallel_loop3A_125  : i32 {
      %parallel_loop3A_192 = arith.index_cast %parallel_loop3A_191 : i32 to index
      %parallel_loop3A_193 = arith.constant 0 : index
      %parallel_loop3A_194 = tpu.vector_load %arg17[%parallel_loop3A_192, %parallel_loop3A_193] {strides = array<i32>} : memref<128x64xf32, #tpu.memory_space<vmem>>, vector<16xf32>,
      tpu.vector_store %arg17[%parallel_loop3A_192, %parallel_loop3A_193], %broadcast_in_dim3A_32 {strides = array<i32>} : memref<128x64xf32, #tpu.memory_space<vmem>>, vector<16xf32>,
      %parallel_loop3A_195 = arith.index_cast %parallel_loop3A_191 : i32 to index
      %parallel_loop3A_196 = arith.constant 16 : index
      %parallel_loop3A_197 = tpu.vector_load %arg17[%parallel_loop3A_195, %parallel_loop3A_196] {strides = array<i32>} : memref<128x64xf32, #tpu.memory_space<vmem>>, vector<16xf32>,
      tpu.vector_store %arg17[%parallel_loop3A_195, %parallel_loop3A_196], %broadcast_in_dim3A_32 {strides = array<i32>} : memref<128x64xf32, #tpu.memory_space<vmem>>, vector<16xf32>,
      %parallel_loop3A_198 = arith.index_cast %parallel_loop3A_191 : i32 to index
      %parallel_loop3A_199 = arith.constant 32 : index
      %parallel_loop3A_200 = tpu.vector_load %arg17[%parallel_loop3A_198, %parallel_loop3A_199] {strides = array<i32>} : memref<128x64xf32, #tpu.memory_space<vmem>>, vector<16xf32>,
      tpu.vector_store %arg17[%parallel_loop3A_198, %parallel_loop3A_199], %broadcast_in_dim3A_32 {strides = array<i32>} : memref<128x64xf32, #tpu.memory_space<vmem>>, vector<16xf32>,
      %parallel_loop3A_201 = arith.index_cast %parallel_loop3A_191 : i32 to index
      %parallel_loop3A_202 = arith.constant 48 : index
      %parallel_loop3A_203 = tpu.vector_load %arg17[%parallel_loop3A_201, %parallel_loop3A_202] {strides = array<i32>} : memref<128x64xf32, #tpu.memory_space<vmem>>, vector<16xf32>,
      tpu.vector_store %arg17[%parallel_loop3A_201, %parallel_loop3A_202], %broadcast_in_dim3A_32 {strides = array<i32>} : memref<128x64xf32, #tpu.memory_space<vmem>>, vector<16xf32>,
    } {sc.loop_unroll_factor = 8 : i64, sc.parallel_access}
    %parallel_loop3A_126 = arith.constant 0 : i32
    %parallel_loop3A_127 = arith.constant 8 : i32
    %parallel_loop3A_128 = arith.constant 1 : i32
    scf.for %parallel_loop3A_191 = %parallel_loop3A_126 to %parallel_loop3A_127 step %parallel_loop3A_128  : i32 {
      %parallel_loop3A_192 = arith.constant 32 : i32
      %parallel_loop3A_193 = arith.addi %parallel_loop3A_192, %parallel_loop3A_191 : i32
      %parallel_loop3A_194 = arith.constant 16 : i32
      %parallel_loop3A_195 = arith.muli %parallel_loop3A_193, %parallel_loop3A_194 : i32
      %parallel_loop3A_196 = arith.index_cast %parallel_loop3A_195 : i32 to index
      %parallel_loop3A_197 = tpu.vector_load %arg10[%parallel_loop3A_196] {strides = array<i32>} : memref<1024xf32, #tpu.memory_space<vmem>>, vector<16xf32>,
      %parallel_loop3A_198 = arith.fptosi %parallel_loop3A_197 : vector<16xf32> to vector<16xi32>
      %parallel_loop3A_199 = arith.index_cast %parallel_loop3A_195 : i32 to index
      %parallel_loop3A_200 = tpu.vector_load %arg11[%parallel_loop3A_199] {strides = array<i32>} : memref<1024xf32, #tpu.memory_space<vmem>>, vector<16xf32>,
      %parallel_loop3A_201 = arith.fptosi %parallel_loop3A_200 : vector<16xf32> to vector<16xi32>
      %parallel_loop3A_202 = arith.index_cast %parallel_loop3A_195 : i32 to index
      %parallel_loop3A_203 = tpu.vector_load %arg14[%parallel_loop3A_202] {strides = array<i32>} : memref<1024xf32, #tpu.memory_space<vmem>>, vector<16xf32>,
      %parallel_loop3A_204 = arith.constant 5.120000e+02 : f32
      %parallel_loop3A_205 = vector.broadcast %parallel_loop3A_204 : f32 to vector<16xf32>
      %parallel_loop3A_206 = arith.cmpf olt, %parallel_loop3A_203, %parallel_loop3A_205 : vector<16xf32>
      %parallel_loop3A_207 = tpu.vector_load_idx %arg16[%parallel_loop3A_201, %broadcast_in_dim3A_68] : memref<64x1xf32, #tpu.memory_space<vmem>>[vector<16xi32>, vector<16xi32>], vector<16xf32>,
      %parallel_loop3A_208 = arith.index_cast %parallel_loop3A_195 : i32 to index
      %parallel_loop3A_209 = tpu.vector_load %arg15[%parallel_loop3A_208] {strides = array<i32>} : memref<1024xf32, #tpu.memory_space<vmem>>, vector<16xf32>,
      %parallel_loop3A_210 = arith.addf %parallel_loop3A_207, %parallel_loop3A_209 : vector<16xf32>
      %parallel_loop3A_211 = arith.constant 5.120000e+02 : f32
      %parallel_loop3A_212 = vector.broadcast %parallel_loop3A_211 : f32 to vector<16xf32>
      %parallel_loop3A_213 = arith.cmpf olt, %parallel_loop3A_210, %parallel_loop3A_212 : vector<16xf32>
      %parallel_loop3A_214 = arith.constant 16 : i32
      %parallel_loop3A_215 = arith.muli %parallel_loop3A_191, %parallel_loop3A_214 : i32
      %parallel_loop3A_216 = vector.broadcast %parallel_loop3A_215 : i32 to vector<16xi32>
      %parallel_loop3A_217 = arith.addi %parallel_loop3A_216, %iota3A : vector<16xi32>
      %parallel_loop3A_218 = arith.index_cast %parallel_loop3A_195 : i32 to index
      %parallel_loop3A_219 = tpu.vector_load %arg12[%parallel_loop3A_218] {strides = array<i32>} : memref<1024xf32, #tpu.memory_space<vmem>>, vector<16xf32>,
      tpu.vector_store_idx %arg17[%parallel_loop3A_217, %parallel_loop3A_198], %parallel_loop3A_219 masked %parallel_loop3A_206 : memref<128x64xf32, #tpu.memory_space<vmem>>[vector<16xi32>, vector<16xi32>], vector<16xf32>, vector<16xi1>
      %parallel_loop3A_220 = arith.index_cast %parallel_loop3A_195 : i32 to index
      %parallel_loop3A_221 = tpu.vector_load %arg13[%parallel_loop3A_220] {strides = array<i32>} : memref<1024xf32, #tpu.memory_space<vmem>>, vector<16xf32>,
      tpu.vector_store_idx %arg17[%parallel_loop3A_217, %parallel_loop3A_201], %parallel_loop3A_221 masked %parallel_loop3A_213 : memref<128x64xf32, #tpu.memory_space<vmem>>[vector<16xi32>, vector<16xi32>], vector<16xf32>, vector<16xi1>
    } {sc.loop_unroll_factor = 4 : i64, sc.parallel_access}
    %add3A_129 = arith.constant 512 : i32
    %add3A_130 = arith.addi %mul3A_2, %add3A_129 : i32
    %dma_start3A_131 = arith.constant 0 : i32
    %dma_start3A_132 = tpu.memref_slice %arg9[%add3A_130, %dma_start3A_131] : memref<32768x64xf32, #tpu.memory_space<hbm>> -> memref<128x64xf32, #tpu.memory_space<hbm>>
    %dma_start3A_133 = arith.constant 0 : i32
    %dma_start3A_134 = tpu.memref_slice %arg9[%add3A_130, %dma_start3A_133] : memref<32768x64xf32, #tpu.memory_space<hbm>> -> memref<128x64xf32, #tpu.memory_space<hbm>>
    tpu.enqueue_dma source(%arg17 : memref<128x64xf32, #tpu.memory_space<vmem>>) target(%dma_start3A_134 : memref<128x64xf32, #tpu.memory_space<hbm>>) target_semaphore(%arg20 : memref<!tpu.dma_semaphore, #tpu.memory_space<semaphore_mem>>)
    %dma_wait3A_135 = arith.constant 0 : i32
    %dma_wait3A_136 = tpu.memref_slice %arg9[%add3A_114, %dma_wait3A_135] : memref<32768x64xf32, #tpu.memory_space<hbm>> -> memref<128x64xf32, #tpu.memory_space<hbm>>
    %dma_wait3A_137 = arith.constant 0 : i32
    %dma_wait3A_138 = tpu.memref_slice %arg9[%add3A_114, %dma_wait3A_137] : memref<32768x64xf32, #tpu.memory_space<hbm>> -> memref<128x64xf32, #tpu.memory_space<hbm>>
    tpu.wait_dma2 semaphore(%arg20 : memref<!tpu.dma_semaphore, #tpu.memory_space<semaphore_mem>>) src(%arg18 : memref<128x64xf32, #tpu.memory_space<vmem>>) dst(%dma_wait3A_138 : memref<128x64xf32, #tpu.memory_space<hbm>>)
    %parallel_loop3A_139 = arith.constant 0 : i32
    %parallel_loop3A_140 = arith.constant 128 : i32
    %parallel_loop3A_141 = arith.constant 1 : i32
    scf.for %parallel_loop3A_191 = %parallel_loop3A_139 to %parallel_loop3A_140 step %parallel_loop3A_141  : i32 {
      %parallel_loop3A_192 = arith.index_cast %parallel_loop3A_191 : i32 to index
      %parallel_loop3A_193 = arith.constant 0 : index
      %parallel_loop3A_194 = tpu.vector_load %arg18[%parallel_loop3A_192, %parallel_loop3A_193] {strides = array<i32>} : memref<128x64xf32, #tpu.memory_space<vmem>>, vector<16xf32>,
      tpu.vector_store %arg18[%parallel_loop3A_192, %parallel_loop3A_193], %broadcast_in_dim3A_32 {strides = array<i32>} : memref<128x64xf32, #tpu.memory_space<vmem>>, vector<16xf32>,
      %parallel_loop3A_195 = arith.index_cast %parallel_loop3A_191 : i32 to index
      %parallel_loop3A_196 = arith.constant 16 : index
      %parallel_loop3A_197 = tpu.vector_load %arg18[%parallel_loop3A_195, %parallel_loop3A_196] {strides = array<i32>} : memref<128x64xf32, #tpu.memory_space<vmem>>, vector<16xf32>,
      tpu.vector_store %arg18[%parallel_loop3A_195, %parallel_loop3A_196], %broadcast_in_dim3A_32 {strides = array<i32>} : memref<128x64xf32, #tpu.memory_space<vmem>>, vector<16xf32>,
      %parallel_loop3A_198 = arith.index_cast %parallel_loop3A_191 : i32 to index
      %parallel_loop3A_199 = arith.constant 32 : index
      %parallel_loop3A_200 = tpu.vector_load %arg18[%parallel_loop3A_198, %parallel_loop3A_199] {strides = array<i32>} : memref<128x64xf32, #tpu.memory_space<vmem>>, vector<16xf32>,
      tpu.vector_store %arg18[%parallel_loop3A_198, %parallel_loop3A_199], %broadcast_in_dim3A_32 {strides = array<i32>} : memref<128x64xf32, #tpu.memory_space<vmem>>, vector<16xf32>,
      %parallel_loop3A_201 = arith.index_cast %parallel_loop3A_191 : i32 to index
      %parallel_loop3A_202 = arith.constant 48 : index
      %parallel_loop3A_203 = tpu.vector_load %arg18[%parallel_loop3A_201, %parallel_loop3A_202] {strides = array<i32>} : memref<128x64xf32, #tpu.memory_space<vmem>>, vector<16xf32>,
      tpu.vector_store %arg18[%parallel_loop3A_201, %parallel_loop3A_202], %broadcast_in_dim3A_32 {strides = array<i32>} : memref<128x64xf32, #tpu.memory_space<vmem>>, vector<16xf32>,
    } {sc.loop_unroll_factor = 8 : i64, sc.parallel_access}
    %parallel_loop3A_142 = arith.constant 0 : i32
    %parallel_loop3A_143 = arith.constant 8 : i32
    %parallel_loop3A_144 = arith.constant 1 : i32
    scf.for %parallel_loop3A_191 = %parallel_loop3A_142 to %parallel_loop3A_143 step %parallel_loop3A_144  : i32 {
      %parallel_loop3A_192 = arith.constant 40 : i32
      %parallel_loop3A_193 = arith.addi %parallel_loop3A_192, %parallel_loop3A_191 : i32
      %parallel_loop3A_194 = arith.constant 16 : i32
      %parallel_loop3A_195 = arith.muli %parallel_loop3A_193, %parallel_loop3A_194 : i32
      %parallel_loop3A_196 = arith.index_cast %parallel_loop3A_195 : i32 to index
      %parallel_loop3A_197 = tpu.vector_load %arg10[%parallel_loop3A_196] {strides = array<i32>} : memref<1024xf32, #tpu.memory_space<vmem>>, vector<16xf32>,
      %parallel_loop3A_198 = arith.fptosi %parallel_loop3A_197 : vector<16xf32> to vector<16xi32>
      %parallel_loop3A_199 = arith.index_cast %parallel_loop3A_195 : i32 to index
      %parallel_loop3A_200 = tpu.vector_load %arg11[%parallel_loop3A_199] {strides = array<i32>} : memref<1024xf32, #tpu.memory_space<vmem>>, vector<16xf32>,
      %parallel_loop3A_201 = arith.fptosi %parallel_loop3A_200 : vector<16xf32> to vector<16xi32>
      %parallel_loop3A_202 = arith.index_cast %parallel_loop3A_195 : i32 to index
      %parallel_loop3A_203 = tpu.vector_load %arg14[%parallel_loop3A_202] {strides = array<i32>} : memref<1024xf32, #tpu.memory_space<vmem>>, vector<16xf32>,
      %parallel_loop3A_204 = arith.constant 5.120000e+02 : f32
      %parallel_loop3A_205 = vector.broadcast %parallel_loop3A_204 : f32 to vector<16xf32>
      %parallel_loop3A_206 = arith.cmpf olt, %parallel_loop3A_203, %parallel_loop3A_205 : vector<16xf32>
      %parallel_loop3A_207 = tpu.vector_load_idx %arg16[%parallel_loop3A_201, %broadcast_in_dim3A_68] : memref<64x1xf32, #tpu.memory_space<vmem>>[vector<16xi32>, vector<16xi32>], vector<16xf32>,
      %parallel_loop3A_208 = arith.index_cast %parallel_loop3A_195 : i32 to index
      %parallel_loop3A_209 = tpu.vector_load %arg15[%parallel_loop3A_208] {strides = array<i32>} : memref<1024xf32, #tpu.memory_space<vmem>>, vector<16xf32>,
      %parallel_loop3A_210 = arith.addf %parallel_loop3A_207, %parallel_loop3A_209 : vector<16xf32>
      %parallel_loop3A_211 = arith.constant 5.120000e+02 : f32
      %parallel_loop3A_212 = vector.broadcast %parallel_loop3A_211 : f32 to vector<16xf32>
      %parallel_loop3A_213 = arith.cmpf olt, %parallel_loop3A_210, %parallel_loop3A_212 : vector<16xf32>
      %parallel_loop3A_214 = arith.constant 16 : i32
      %parallel_loop3A_215 = arith.muli %parallel_loop3A_191, %parallel_loop3A_214 : i32
      %parallel_loop3A_216 = vector.broadcast %parallel_loop3A_215 : i32 to vector<16xi32>
      %parallel_loop3A_217 = arith.addi %parallel_loop3A_216, %iota3A : vector<16xi32>
      %parallel_loop3A_218 = arith.index_cast %parallel_loop3A_195 : i32 to index
      %parallel_loop3A_219 = tpu.vector_load %arg12[%parallel_loop3A_218] {strides = array<i32>} : memref<1024xf32, #tpu.memory_space<vmem>>, vector<16xf32>,
      tpu.vector_store_idx %arg18[%parallel_loop3A_217, %parallel_loop3A_198], %parallel_loop3A_219 masked %parallel_loop3A_206 : memref<128x64xf32, #tpu.memory_space<vmem>>[vector<16xi32>, vector<16xi32>], vector<16xf32>, vector<16xi1>
      %parallel_loop3A_220 = arith.index_cast %parallel_loop3A_195 : i32 to index
      %parallel_loop3A_221 = tpu.vector_load %arg13[%parallel_loop3A_220] {strides = array<i32>} : memref<1024xf32, #tpu.memory_space<vmem>>, vector<16xf32>,
      tpu.vector_store_idx %arg18[%parallel_loop3A_217, %parallel_loop3A_201], %parallel_loop3A_221 masked %parallel_loop3A_213 : memref<128x64xf32, #tpu.memory_space<vmem>>[vector<16xi32>, vector<16xi32>], vector<16xf32>, vector<16xi1>
    } {sc.loop_unroll_factor = 4 : i64, sc.parallel_access}
    %add3A_145 = arith.constant 640 : i32
    %add3A_146 = arith.addi %mul3A_2, %add3A_145 : i32
    %dma_start3A_147 = arith.constant 0 : i32
    %dma_start3A_148 = tpu.memref_slice %arg9[%add3A_146, %dma_start3A_147] : memref<32768x64xf32, #tpu.memory_space<hbm>> -> memref<128x64xf32, #tpu.memory_space<hbm>>
    %dma_start3A_149 = arith.constant 0 : i32
    %dma_start3A_150 = tpu.memref_slice %arg9[%add3A_146, %dma_start3A_149] : memref<32768x64xf32, #tpu.memory_space<hbm>> -> memref<128x64xf32, #tpu.memory_space<hbm>>
    tpu.enqueue_dma source(%arg18 : memref<128x64xf32, #tpu.memory_space<vmem>>) target(%dma_start3A_150 : memref<128x64xf32, #tpu.memory_space<hbm>>) target_semaphore(%arg20 : memref<!tpu.dma_semaphore, #tpu.memory_space<semaphore_mem>>)
    %dma_wait3A_151 = arith.constant 0 : i32
    %dma_wait3A_152 = tpu.memref_slice %arg9[%add3A_130, %dma_wait3A_151] : memref<32768x64xf32, #tpu.memory_space<hbm>> -> memref<128x64xf32, #tpu.memory_space<hbm>>
    %dma_wait3A_153 = arith.constant 0 : i32
    %dma_wait3A_154 = tpu.memref_slice %arg9[%add3A_130, %dma_wait3A_153] : memref<32768x64xf32, #tpu.memory_space<hbm>> -> memref<128x64xf32, #tpu.memory_space<hbm>>
    tpu.wait_dma2 semaphore(%arg20 : memref<!tpu.dma_semaphore, #tpu.memory_space<semaphore_mem>>) src(%arg17 : memref<128x64xf32, #tpu.memory_space<vmem>>) dst(%dma_wait3A_154 : memref<128x64xf32, #tpu.memory_space<hbm>>)
    %parallel_loop3A_155 = arith.constant 0 : i32
    %parallel_loop3A_156 = arith.constant 128 : i32
    %parallel_loop3A_157 = arith.constant 1 : i32
    scf.for %parallel_loop3A_191 = %parallel_loop3A_155 to %parallel_loop3A_156 step %parallel_loop3A_157  : i32 {
      %parallel_loop3A_192 = arith.index_cast %parallel_loop3A_191 : i32 to index
      %parallel_loop3A_193 = arith.constant 0 : index
      %parallel_loop3A_194 = tpu.vector_load %arg17[%parallel_loop3A_192, %parallel_loop3A_193] {strides = array<i32>} : memref<128x64xf32, #tpu.memory_space<vmem>>, vector<16xf32>,
      tpu.vector_store %arg17[%parallel_loop3A_192, %parallel_loop3A_193], %broadcast_in_dim3A_32 {strides = array<i32>} : memref<128x64xf32, #tpu.memory_space<vmem>>, vector<16xf32>,
      %parallel_loop3A_195 = arith.index_cast %parallel_loop3A_191 : i32 to index
      %parallel_loop3A_196 = arith.constant 16 : index
      %parallel_loop3A_197 = tpu.vector_load %arg17[%parallel_loop3A_195, %parallel_loop3A_196] {strides = array<i32>} : memref<128x64xf32, #tpu.memory_space<vmem>>, vector<16xf32>,
      tpu.vector_store %arg17[%parallel_loop3A_195, %parallel_loop3A_196], %broadcast_in_dim3A_32 {strides = array<i32>} : memref<128x64xf32, #tpu.memory_space<vmem>>, vector<16xf32>,
      %parallel_loop3A_198 = arith.index_cast %parallel_loop3A_191 : i32 to index
      %parallel_loop3A_199 = arith.constant 32 : index
      %parallel_loop3A_200 = tpu.vector_load %arg17[%parallel_loop3A_198, %parallel_loop3A_199] {strides = array<i32>} : memref<128x64xf32, #tpu.memory_space<vmem>>, vector<16xf32>,
      tpu.vector_store %arg17[%parallel_loop3A_198, %parallel_loop3A_199], %broadcast_in_dim3A_32 {strides = array<i32>} : memref<128x64xf32, #tpu.memory_space<vmem>>, vector<16xf32>,
      %parallel_loop3A_201 = arith.index_cast %parallel_loop3A_191 : i32 to index
      %parallel_loop3A_202 = arith.constant 48 : index
      %parallel_loop3A_203 = tpu.vector_load %arg17[%parallel_loop3A_201, %parallel_loop3A_202] {strides = array<i32>} : memref<128x64xf32, #tpu.memory_space<vmem>>, vector<16xf32>,
      tpu.vector_store %arg17[%parallel_loop3A_201, %parallel_loop3A_202], %broadcast_in_dim3A_32 {strides = array<i32>} : memref<128x64xf32, #tpu.memory_space<vmem>>, vector<16xf32>,
    } {sc.loop_unroll_factor = 8 : i64, sc.parallel_access}
    %parallel_loop3A_158 = arith.constant 0 : i32
    %parallel_loop3A_159 = arith.constant 8 : i32
    %parallel_loop3A_160 = arith.constant 1 : i32
    scf.for %parallel_loop3A_191 = %parallel_loop3A_158 to %parallel_loop3A_159 step %parallel_loop3A_160  : i32 {
      %parallel_loop3A_192 = arith.constant 48 : i32
      %parallel_loop3A_193 = arith.addi %parallel_loop3A_192, %parallel_loop3A_191 : i32
      %parallel_loop3A_194 = arith.constant 16 : i32
      %parallel_loop3A_195 = arith.muli %parallel_loop3A_193, %parallel_loop3A_194 : i32
      %parallel_loop3A_196 = arith.index_cast %parallel_loop3A_195 : i32 to index
      %parallel_loop3A_197 = tpu.vector_load %arg10[%parallel_loop3A_196] {strides = array<i32>} : memref<1024xf32, #tpu.memory_space<vmem>>, vector<16xf32>,
      %parallel_loop3A_198 = arith.fptosi %parallel_loop3A_197 : vector<16xf32> to vector<16xi32>
      %parallel_loop3A_199 = arith.index_cast %parallel_loop3A_195 : i32 to index
      %parallel_loop3A_200 = tpu.vector_load %arg11[%parallel_loop3A_199] {strides = array<i32>} : memref<1024xf32, #tpu.memory_space<vmem>>, vector<16xf32>,
      %parallel_loop3A_201 = arith.fptosi %parallel_loop3A_200 : vector<16xf32> to vector<16xi32>
      %parallel_loop3A_202 = arith.index_cast %parallel_loop3A_195 : i32 to index
      %parallel_loop3A_203 = tpu.vector_load %arg14[%parallel_loop3A_202] {strides = array<i32>} : memref<1024xf32, #tpu.memory_space<vmem>>, vector<16xf32>,
      %parallel_loop3A_204 = arith.constant 5.120000e+02 : f32
      %parallel_loop3A_205 = vector.broadcast %parallel_loop3A_204 : f32 to vector<16xf32>
      %parallel_loop3A_206 = arith.cmpf olt, %parallel_loop3A_203, %parallel_loop3A_205 : vector<16xf32>
      %parallel_loop3A_207 = tpu.vector_load_idx %arg16[%parallel_loop3A_201, %broadcast_in_dim3A_68] : memref<64x1xf32, #tpu.memory_space<vmem>>[vector<16xi32>, vector<16xi32>], vector<16xf32>,
      %parallel_loop3A_208 = arith.index_cast %parallel_loop3A_195 : i32 to index
      %parallel_loop3A_209 = tpu.vector_load %arg15[%parallel_loop3A_208] {strides = array<i32>} : memref<1024xf32, #tpu.memory_space<vmem>>, vector<16xf32>,
      %parallel_loop3A_210 = arith.addf %parallel_loop3A_207, %parallel_loop3A_209 : vector<16xf32>
      %parallel_loop3A_211 = arith.constant 5.120000e+02 : f32
      %parallel_loop3A_212 = vector.broadcast %parallel_loop3A_211 : f32 to vector<16xf32>
      %parallel_loop3A_213 = arith.cmpf olt, %parallel_loop3A_210, %parallel_loop3A_212 : vector<16xf32>
      %parallel_loop3A_214 = arith.constant 16 : i32
      %parallel_loop3A_215 = arith.muli %parallel_loop3A_191, %parallel_loop3A_214 : i32
      %parallel_loop3A_216 = vector.broadcast %parallel_loop3A_215 : i32 to vector<16xi32>
      %parallel_loop3A_217 = arith.addi %parallel_loop3A_216, %iota3A : vector<16xi32>
      %parallel_loop3A_218 = arith.index_cast %parallel_loop3A_195 : i32 to index
      %parallel_loop3A_219 = tpu.vector_load %arg12[%parallel_loop3A_218] {strides = array<i32>} : memref<1024xf32, #tpu.memory_space<vmem>>, vector<16xf32>,
      tpu.vector_store_idx %arg17[%parallel_loop3A_217, %parallel_loop3A_198], %parallel_loop3A_219 masked %parallel_loop3A_206 : memref<128x64xf32, #tpu.memory_space<vmem>>[vector<16xi32>, vector<16xi32>], vector<16xf32>, vector<16xi1>
      %parallel_loop3A_220 = arith.index_cast %parallel_loop3A_195 : i32 to index
      %parallel_loop3A_221 = tpu.vector_load %arg13[%parallel_loop3A_220] {strides = array<i32>} : memref<1024xf32, #tpu.memory_space<vmem>>, vector<16xf32>,
      tpu.vector_store_idx %arg17[%parallel_loop3A_217, %parallel_loop3A_201], %parallel_loop3A_221 masked %parallel_loop3A_213 : memref<128x64xf32, #tpu.memory_space<vmem>>[vector<16xi32>, vector<16xi32>], vector<16xf32>, vector<16xi1>
    } {sc.loop_unroll_factor = 4 : i64, sc.parallel_access}
    %add3A_161 = arith.constant 768 : i32
    %add3A_162 = arith.addi %mul3A_2, %add3A_161 : i32
    %dma_start3A_163 = arith.constant 0 : i32
    %dma_start3A_164 = tpu.memref_slice %arg9[%add3A_162, %dma_start3A_163] : memref<32768x64xf32, #tpu.memory_space<hbm>> -> memref<128x64xf32, #tpu.memory_space<hbm>>
    %dma_start3A_165 = arith.constant 0 : i32
    %dma_start3A_166 = tpu.memref_slice %arg9[%add3A_162, %dma_start3A_165] : memref<32768x64xf32, #tpu.memory_space<hbm>> -> memref<128x64xf32, #tpu.memory_space<hbm>>
    tpu.enqueue_dma source(%arg17 : memref<128x64xf32, #tpu.memory_space<vmem>>) target(%dma_start3A_166 : memref<128x64xf32, #tpu.memory_space<hbm>>) target_semaphore(%arg20 : memref<!tpu.dma_semaphore, #tpu.memory_space<semaphore_mem>>)
    %dma_wait3A_167 = arith.constant 0 : i32
    %dma_wait3A_168 = tpu.memref_slice %arg9[%add3A_146, %dma_wait3A_167] : memref<32768x64xf32, #tpu.memory_space<hbm>> -> memref<128x64xf32, #tpu.memory_space<hbm>>
    %dma_wait3A_169 = arith.constant 0 : i32
    %dma_wait3A_170 = tpu.memref_slice %arg9[%add3A_146, %dma_wait3A_169] : memref<32768x64xf32, #tpu.memory_space<hbm>> -> memref<128x64xf32, #tpu.memory_space<hbm>>
    tpu.wait_dma2 semaphore(%arg20 : memref<!tpu.dma_semaphore, #tpu.memory_space<semaphore_mem>>) src(%arg18 : memref<128x64xf32, #tpu.memory_space<vmem>>) dst(%dma_wait3A_170 : memref<128x64xf32, #tpu.memory_space<hbm>>)
    %parallel_loop3A_171 = arith.constant 0 : i32
    %parallel_loop3A_172 = arith.constant 128 : i32
    %parallel_loop3A_173 = arith.constant 1 : i32
    scf.for %parallel_loop3A_191 = %parallel_loop3A_171 to %parallel_loop3A_172 step %parallel_loop3A_173  : i32 {
      %parallel_loop3A_192 = arith.index_cast %parallel_loop3A_191 : i32 to index
      %parallel_loop3A_193 = arith.constant 0 : index
      %parallel_loop3A_194 = tpu.vector_load %arg18[%parallel_loop3A_192, %parallel_loop3A_193] {strides = array<i32>} : memref<128x64xf32, #tpu.memory_space<vmem>>, vector<16xf32>,
      tpu.vector_store %arg18[%parallel_loop3A_192, %parallel_loop3A_193], %broadcast_in_dim3A_32 {strides = array<i32>} : memref<128x64xf32, #tpu.memory_space<vmem>>, vector<16xf32>,
      %parallel_loop3A_195 = arith.index_cast %parallel_loop3A_191 : i32 to index
      %parallel_loop3A_196 = arith.constant 16 : index
      %parallel_loop3A_197 = tpu.vector_load %arg18[%parallel_loop3A_195, %parallel_loop3A_196] {strides = array<i32>} : memref<128x64xf32, #tpu.memory_space<vmem>>, vector<16xf32>,
      tpu.vector_store %arg18[%parallel_loop3A_195, %parallel_loop3A_196], %broadcast_in_dim3A_32 {strides = array<i32>} : memref<128x64xf32, #tpu.memory_space<vmem>>, vector<16xf32>,
      %parallel_loop3A_198 = arith.index_cast %parallel_loop3A_191 : i32 to index
      %parallel_loop3A_199 = arith.constant 32 : index
      %parallel_loop3A_200 = tpu.vector_load %arg18[%parallel_loop3A_198, %parallel_loop3A_199] {strides = array<i32>} : memref<128x64xf32, #tpu.memory_space<vmem>>, vector<16xf32>,
      tpu.vector_store %arg18[%parallel_loop3A_198, %parallel_loop3A_199], %broadcast_in_dim3A_32 {strides = array<i32>} : memref<128x64xf32, #tpu.memory_space<vmem>>, vector<16xf32>,
      %parallel_loop3A_201 = arith.index_cast %parallel_loop3A_191 : i32 to index
      %parallel_loop3A_202 = arith.constant 48 : index
      %parallel_loop3A_203 = tpu.vector_load %arg18[%parallel_loop3A_201, %parallel_loop3A_202] {strides = array<i32>} : memref<128x64xf32, #tpu.memory_space<vmem>>, vector<16xf32>,
      tpu.vector_store %arg18[%parallel_loop3A_201, %parallel_loop3A_202], %broadcast_in_dim3A_32 {strides = array<i32>} : memref<128x64xf32, #tpu.memory_space<vmem>>, vector<16xf32>,
    } {sc.loop_unroll_factor = 8 : i64, sc.parallel_access}
    %parallel_loop3A_174 = arith.constant 0 : i32
    %parallel_loop3A_175 = arith.constant 8 : i32
    %parallel_loop3A_176 = arith.constant 1 : i32
    scf.for %parallel_loop3A_191 = %parallel_loop3A_174 to %parallel_loop3A_175 step %parallel_loop3A_176  : i32 {
      %parallel_loop3A_192 = arith.constant 56 : i32
      %parallel_loop3A_193 = arith.addi %parallel_loop3A_192, %parallel_loop3A_191 : i32
      %parallel_loop3A_194 = arith.constant 16 : i32
      %parallel_loop3A_195 = arith.muli %parallel_loop3A_193, %parallel_loop3A_194 : i32
      %parallel_loop3A_196 = arith.index_cast %parallel_loop3A_195 : i32 to index
      %parallel_loop3A_197 = tpu.vector_load %arg10[%parallel_loop3A_196] {strides = array<i32>} : memref<1024xf32, #tpu.memory_space<vmem>>, vector<16xf32>,
      %parallel_loop3A_198 = arith.fptosi %parallel_loop3A_197 : vector<16xf32> to vector<16xi32>
      %parallel_loop3A_199 = arith.index_cast %parallel_loop3A_195 : i32 to index
      %parallel_loop3A_200 = tpu.vector_load %arg11[%parallel_loop3A_199] {strides = array<i32>} : memref<1024xf32, #tpu.memory_space<vmem>>, vector<16xf32>,
      %parallel_loop3A_201 = arith.fptosi %parallel_loop3A_200 : vector<16xf32> to vector<16xi32>
      %parallel_loop3A_202 = arith.index_cast %parallel_loop3A_195 : i32 to index
      %parallel_loop3A_203 = tpu.vector_load %arg14[%parallel_loop3A_202] {strides = array<i32>} : memref<1024xf32, #tpu.memory_space<vmem>>, vector<16xf32>,
      %parallel_loop3A_204 = arith.constant 5.120000e+02 : f32
      %parallel_loop3A_205 = vector.broadcast %parallel_loop3A_204 : f32 to vector<16xf32>
      %parallel_loop3A_206 = arith.cmpf olt, %parallel_loop3A_203, %parallel_loop3A_205 : vector<16xf32>
      %parallel_loop3A_207 = tpu.vector_load_idx %arg16[%parallel_loop3A_201, %broadcast_in_dim3A_68] : memref<64x1xf32, #tpu.memory_space<vmem>>[vector<16xi32>, vector<16xi32>], vector<16xf32>,
      %parallel_loop3A_208 = arith.index_cast %parallel_loop3A_195 : i32 to index
      %parallel_loop3A_209 = tpu.vector_load %arg15[%parallel_loop3A_208] {strides = array<i32>} : memref<1024xf32, #tpu.memory_space<vmem>>, vector<16xf32>,
      %parallel_loop3A_210 = arith.addf %parallel_loop3A_207, %parallel_loop3A_209 : vector<16xf32>
      %parallel_loop3A_211 = arith.constant 5.120000e+02 : f32
      %parallel_loop3A_212 = vector.broadcast %parallel_loop3A_211 : f32 to vector<16xf32>
      %parallel_loop3A_213 = arith.cmpf olt, %parallel_loop3A_210, %parallel_loop3A_212 : vector<16xf32>
      %parallel_loop3A_214 = arith.constant 16 : i32
      %parallel_loop3A_215 = arith.muli %parallel_loop3A_191, %parallel_loop3A_214 : i32
      %parallel_loop3A_216 = vector.broadcast %parallel_loop3A_215 : i32 to vector<16xi32>
      %parallel_loop3A_217 = arith.addi %parallel_loop3A_216, %iota3A : vector<16xi32>
      %parallel_loop3A_218 = arith.index_cast %parallel_loop3A_195 : i32 to index
      %parallel_loop3A_219 = tpu.vector_load %arg12[%parallel_loop3A_218] {strides = array<i32>} : memref<1024xf32, #tpu.memory_space<vmem>>, vector<16xf32>,
      tpu.vector_store_idx %arg18[%parallel_loop3A_217, %parallel_loop3A_198], %parallel_loop3A_219 masked %parallel_loop3A_206 : memref<128x64xf32, #tpu.memory_space<vmem>>[vector<16xi32>, vector<16xi32>], vector<16xf32>, vector<16xi1>
      %parallel_loop3A_220 = arith.index_cast %parallel_loop3A_195 : i32 to index
      %parallel_loop3A_221 = tpu.vector_load %arg13[%parallel_loop3A_220] {strides = array<i32>} : memref<1024xf32, #tpu.memory_space<vmem>>, vector<16xf32>,
      tpu.vector_store_idx %arg18[%parallel_loop3A_217, %parallel_loop3A_201], %parallel_loop3A_221 masked %parallel_loop3A_213 : memref<128x64xf32, #tpu.memory_space<vmem>>[vector<16xi32>, vector<16xi32>], vector<16xf32>, vector<16xi1>
    } {sc.loop_unroll_factor = 4 : i64, sc.parallel_access}
    %add3A_177 = arith.constant 896 : i32
    %add3A_178 = arith.addi %mul3A_2, %add3A_177 : i32
    %dma_start3A_179 = arith.constant 0 : i32
    %dma_start3A_180 = tpu.memref_slice %arg9[%add3A_178, %dma_start3A_179] : memref<32768x64xf32, #tpu.memory_space<hbm>> -> memref<128x64xf32, #tpu.memory_space<hbm>>
    %dma_start3A_181 = arith.constant 0 : i32
    %dma_start3A_182 = tpu.memref_slice %arg9[%add3A_178, %dma_start3A_181] : memref<32768x64xf32, #tpu.memory_space<hbm>> -> memref<128x64xf32, #tpu.memory_space<hbm>>
    tpu.enqueue_dma source(%arg18 : memref<128x64xf32, #tpu.memory_space<vmem>>) target(%dma_start3A_182 : memref<128x64xf32, #tpu.memory_space<hbm>>) target_semaphore(%arg20 : memref<!tpu.dma_semaphore, #tpu.memory_space<semaphore_mem>>)
    %dma_wait3A_183 = arith.constant 0 : i32
    %dma_wait3A_184 = tpu.memref_slice %arg9[%add3A_162, %dma_wait3A_183] : memref<32768x64xf32, #tpu.memory_space<hbm>> -> memref<128x64xf32, #tpu.memory_space<hbm>>
    %dma_wait3A_185 = arith.constant 0 : i32
    %dma_wait3A_186 = tpu.memref_slice %arg9[%add3A_162, %dma_wait3A_185] : memref<32768x64xf32, #tpu.memory_space<hbm>> -> memref<128x64xf32, #tpu.memory_space<hbm>>
    tpu.wait_dma2 semaphore(%arg20 : memref<!tpu.dma_semaphore, #tpu.memory_space<semaphore_mem>>) src(%arg17 : memref<128x64xf32, #tpu.memory_space<vmem>>) dst(%dma_wait3A_186 : memref<128x64xf32, #tpu.memory_space<hbm>>)
    %dma_wait3A_187 = arith.constant 0 : i32
    %dma_wait3A_188 = tpu.memref_slice %arg9[%add3A_178, %dma_wait3A_187] : memref<32768x64xf32, #tpu.memory_space<hbm>> -> memref<128x64xf32, #tpu.memory_space<hbm>>
    %dma_wait3A_189 = arith.constant 0 : i32
    %dma_wait3A_190 = tpu.memref_slice %arg9[%add3A_178, %dma_wait3A_189] : memref<32768x64xf32, #tpu.memory_space<hbm>> -> memref<128x64xf32, #tpu.memory_space<hbm>>
    tpu.wait_dma2 semaphore(%arg20 : memref<!tpu.dma_semaphore, #tpu.memory_space<semaphore_mem>>) src(%arg18 : memref<128x64xf32, #tpu.memory_space<vmem>>) dst(%dma_wait3A_190 : memref<128x64xf32, #tpu.memory_space<hbm>>)
    return
  }
}

module attributes {stable_mosaic.version = 14 : i64} {
  func.func @_pass1_body(%arg0: i32, %arg1: memref<256x1024xf32, #tpu.memory_space<vmem>>, %arg2: memref<256x1024xf32, #tpu.memory_space<vmem>>, %arg3: memref<64x1024xf32, #tpu.memory_space<vmem>>, %arg4: memref<64x512xf32, #tpu.memory_space<vmem>>, %arg5: memref<1x512xf32, #tpu.memory_space<vmem>>, %arg6: memref<1x512xf32, #tpu.memory_space<vmem>>, %arg7: memref<1x512xf32, #tpu.memory_space<vmem>>, %arg8: memref<1x512xf32, #tpu.memory_space<vmem>>, %arg9: memref<1x512xf32, #tpu.memory_space<vmem>>, %arg10: memref<1x512xf32, #tpu.memory_space<vmem>>, %arg11: memref<1x1xf32, #tpu.memory_space<vmem>>, %arg12: memref<64x1xf32, #tpu.memory_space<vmem>>, %arg13: memref<128x1xf32, #tpu.memory_space<vmem>>, %arg14: memref<512x512xbf16, #tpu.memory_space<vmem>>, %arg15: memref<64x512xf32, #tpu.memory_space<vmem>>) attributes {dimension_semantics = [#tpu.dimension_semantics<arbitrary>], iteration_bounds = array<i64: 64>, scalar_prefetch = 0 : i64, scratch_operands = 3 : i64, tpu.core_type = #tpu.core_type<tc>, window_params = [{transform_indices = @transform_0, window_bounds = array<i64: 256, 1024>}, {transform_indices = @transform_1, window_bounds = array<i64: 256, 1024>}, {pipeline_mode = #tpu.pipeline_mode<synchronous>, transform_indices = @transform_2, window_bounds = array<i64: 64, 1024>}, {transform_indices = @transform_3, window_bounds = array<i64: 64, 512>}, {transform_indices = @transform_4, window_bounds = array<i64: 1, 512>}, {transform_indices = @transform_5, window_bounds = array<i64: 1, 512>}, {transform_indices = @transform_6, window_bounds = array<i64: 1, 512>}, {transform_indices = @transform_7, window_bounds = array<i64: 1, 512>}, {transform_indices = @transform_8, window_bounds = array<i64: 1, 512>}, {transform_indices = @transform_9, window_bounds = array<i64: 1, 512>}, {pipeline_mode = #tpu.pipeline_mode<synchronous>, transform_indices = @transform_10, window_bounds = array<i64: 1, 1>}, {pipeline_mode = #tpu.pipeline_mode<synchronous>, transform_indices = @transform_11, window_bounds = array<i64: 64, 1>}]} {
    %eq3A = arith.constant 0 : i32
    %eq3A_0 = arith.cmpi eq, %arg0, %eq3A : i32
    %convert_element_type3A = arith.extui %eq3A_0 : i1 to i32
    %cond3A = arith.constant 0 : i32
    %cond3A_1 = arith.cmpi ne, %convert_element_type3A, %cond3A : i32
    scf.if %cond3A_1 {
      %broadcast_in_dim3A_125 = arith.constant 0.000000e+00 : f32
      %broadcast_in_dim3A_126 = vector.broadcast %broadcast_in_dim3A_125 : f32 to vector<128x1xf32>
      %swap3A_127 = arith.constant 0 : index
      %swap3A_128 = arith.constant 0 : index
      %swap3A_129 = vector.load %arg13[%swap3A_127, %swap3A_128] : memref<128x1xf32, #tpu.memory_space<vmem>>, vector<128x1xf32>
      tpu.vector_store %arg13[%swap3A_127, %swap3A_128], %broadcast_in_dim3A_126 {strides = array<i32>} : memref<128x1xf32, #tpu.memory_space<vmem>>, vector<128x1xf32>,
      %broadcast_in_dim3A_130 = arith.constant 0.000000e+00 : f32
      %broadcast_in_dim3A_131 = vector.broadcast %broadcast_in_dim3A_130 : f32 to vector<64x512xf32>
      %swap3A_132 = arith.constant 0 : index
      %swap3A_133 = arith.constant 0 : index
      %swap3A_134 = vector.load %arg15[%swap3A_132, %swap3A_133] : memref<64x512xf32, #tpu.memory_space<vmem>>, vector<64x512xf32>
      tpu.vector_store %arg15[%swap3A_132, %swap3A_133], %broadcast_in_dim3A_131 {strides = array<i32>} : memref<64x512xf32, #tpu.memory_space<vmem>>, vector<64x512xf32>,
      %iota3A_135 = tpu.iota {dimensions = array<i32: 0>} : vector<512x512xi32>
      %iota3A_136 = tpu.iota {dimensions = array<i32: 1>} : vector<512x512xi32>
      %lt3A = arith.cmpi slt, %iota3A_135, %iota3A_136 : vector<512x512xi32>
      %convert_element_type3A_137 = arith.extui %lt3A : vector<512x512xi1> to vector<512x512xi32>
      %convert_element_type3A_138 = arith.sitofp %convert_element_type3A_137 : vector<512x512xi32> to vector<512x512xf32>
      %convert_element_type3A_139 = arith.truncf %convert_element_type3A_138 : vector<512x512xf32> to vector<512x512xbf16>
      %swap3A_140 = arith.constant 0 : index
      %swap3A_141 = arith.constant 0 : index
      %swap3A_142 = vector.load %arg14[%swap3A_140, %swap3A_141] : memref<512x512xbf16, #tpu.memory_space<vmem>>, vector<512x512xbf16>
      tpu.vector_store %arg14[%swap3A_140, %swap3A_141], %convert_element_type3A_139 {strides = array<i32>} : memref<512x512xbf16, #tpu.memory_space<vmem>>, vector<512x512xbf16>,
    } else {
    }
    %get3A = arith.constant 0 : index
    %get3A_2 = arith.constant 0 : index
    %get3A_3 = vector.load %arg3[%get3A, %get3A_2] : memref<64x1024xf32, #tpu.memory_space<vmem>>, vector<64x1024xf32>
    %get3A_4 = arith.constant 0 : index
    %get3A_5 = arith.constant 0 : index
    %get3A_6 = vector.load %arg1[%get3A_4, %get3A_5] : memref<256x1024xf32, #tpu.memory_space<vmem>>, vector<256x1024xf32>
    %dot_general3A = arith.constant dense<0.000000e+00> : vector<64x256xf32>
    %dot_general3A_7 = tpu.matmul %get3A_3, %get3A_6, %dot_general3A {dimension_numbers = #tpu.dot_dimension_numbers<[1], [1], [0], [0], [0, 0, 1, 0], [], []>, transpose_lhs_hint = false} : vector<64x1024xf32>, vector<256x1024xf32>, vector<64x256xf32> -> vector<64x256xf32>
    %get3A_8 = arith.constant 0 : index
    %get3A_9 = arith.constant 0 : index
    %get3A_10 = vector.load %arg3[%get3A_8, %get3A_9] : memref<64x1024xf32, #tpu.memory_space<vmem>>, vector<64x1024xf32>
    %get3A_11 = arith.constant 0 : index
    %get3A_12 = arith.constant 0 : index
    %get3A_13 = vector.load %arg2[%get3A_11, %get3A_12] : memref<256x1024xf32, #tpu.memory_space<vmem>>, vector<256x1024xf32>
    %dot_general3A_14 = arith.constant dense<0.000000e+00> : vector<64x256xf32>
    %dot_general3A_15 = tpu.matmul %get3A_10, %get3A_13, %dot_general3A_14 {dimension_numbers = #tpu.dot_dimension_numbers<[1], [1], [0], [0], [0, 0, 1, 0], [], []>, transpose_lhs_hint = false} : vector<64x1024xf32>, vector<256x1024xf32>, vector<64x256xf32> -> vector<64x256xf32>
    %concatenate3A = tpu.concatenate %dot_general3A_7, %dot_general3A_15 in 1 : vector<64x256xf32>, vector<64x256xf32> -> vector<64x512xf32>
    %reduce_max3A = arith.constant dense<0xFF800000> : vector<512xf32>
    %reduce_max3A_16 = vector.multi_reduction <maximumf>, %concatenate3A, %reduce_max3A [0] : vector<64x512xf32> to vector<512xf32>
    %broadcast_in_dim3A = vector.shape_cast %reduce_max3A_16 : vector<512xf32> to vector<1x512xf32>
    %sub3A = vector.broadcast %broadcast_in_dim3A : vector<1x512xf32> to vector<64x512xf32>
    %sub3A_17 = arith.subf %concatenate3A, %sub3A : vector<64x512xf32>
    %exp3A = math.exp %sub3A_17 : vector<64x512xf32>
    %reduce_sum3A = arith.constant dense<0.000000e+00> : vector<512xf32>
    %reduce_sum3A_18 = vector.multi_reduction <add>, %exp3A, %reduce_sum3A [0] : vector<64x512xf32> to vector<512xf32>
    %broadcast_in_dim3A_19 = vector.shape_cast %reduce_sum3A_18 : vector<512xf32> to vector<1x512xf32>
    %div3A = arith.constant 1.000000e+00 : f32
    %div3A_20 = vector.broadcast %div3A : f32 to vector<1x512xf32>
    %div3A_21 = arith.divf %div3A_20, %broadcast_in_dim3A_19 : vector<1x512xf32>
    %iota3A = tpu.iota {dimensions = array<i32: 0>} : vector<64x512xi32>
    %eq3A_22 = vector.broadcast %broadcast_in_dim3A : vector<1x512xf32> to vector<64x512xf32>
    %eq3A_23 = arith.cmpf oeq, %concatenate3A, %eq3A_22 : vector<64x512xf32>
    %jit3A = arith.constant 127 : i32
    %broadcast_in_dim3A_24 = vector.broadcast %jit3A : i32 to vector<64x512xi32>
    %select_n3A = arith.select %eq3A_23, %iota3A, %broadcast_in_dim3A_24 : vector<64x512xi1>, vector<64x512xi32>
    %reduce_min3A = arith.constant dense<2147483647> : vector<512xi32>
    %reduce_min3A_25 = vector.multi_reduction <minsi>, %select_n3A, %reduce_min3A [0] : vector<64x512xi32> to vector<512xi32>
    %broadcast_in_dim3A_26 = vector.shape_cast %reduce_min3A_25 : vector<512xi32> to vector<1x512xi32>
    %eq3A_27 = vector.broadcast %broadcast_in_dim3A_26 : vector<1x512xi32> to vector<64x512xi32>
    %eq3A_28 = arith.cmpi eq, %iota3A, %eq3A_27 : vector<64x512xi32>
    %get3A_29 = arith.constant 0 : index
    %get3A_30 = arith.constant 0 : index
    %get3A_31 = vector.load %arg4[%get3A_29, %get3A_30] : memref<64x512xf32, #tpu.memory_space<vmem>>, vector<64x512xf32>
    %add3A = arith.addf %concatenate3A, %get3A_31 : vector<64x512xf32>
    %jit3A_32 = arith.constant 0xFF800000 : f32
    %broadcast_in_dim3A_33 = vector.broadcast %jit3A_32 : f32 to vector<64x512xf32>
    %select_n3A_34 = arith.select %eq3A_28, %broadcast_in_dim3A_33, %add3A : vector<64x512xi1>, vector<64x512xf32>
    %reduce_max3A_35 = arith.constant dense<0xFF800000> : vector<512xf32>
    %reduce_max3A_36 = vector.multi_reduction <maximumf>, %select_n3A_34, %reduce_max3A_35 [0] : vector<64x512xf32> to vector<512xf32>
    %broadcast_in_dim3A_37 = vector.shape_cast %reduce_max3A_36 : vector<512xf32> to vector<1x512xf32>
    %eq3A_38 = vector.broadcast %broadcast_in_dim3A_37 : vector<1x512xf32> to vector<64x512xf32>
    %eq3A_39 = arith.cmpf oeq, %select_n3A_34, %eq3A_38 : vector<64x512xf32>
    %jit3A_40 = arith.constant 127 : i32
    %broadcast_in_dim3A_41 = vector.broadcast %jit3A_40 : i32 to vector<64x512xi32>
    %select_n3A_42 = arith.select %eq3A_39, %iota3A, %broadcast_in_dim3A_41 : vector<64x512xi1>, vector<64x512xi32>
    %reduce_min3A_43 = arith.constant dense<2147483647> : vector<512xi32>
    %reduce_min3A_44 = vector.multi_reduction <minsi>, %select_n3A_42, %reduce_min3A_43 [0] : vector<64x512xi32> to vector<512xi32>
    %broadcast_in_dim3A_45 = vector.shape_cast %reduce_min3A_44 : vector<512xi32> to vector<1x512xi32>
    %eq3A_46 = vector.broadcast %broadcast_in_dim3A_45 : vector<1x512xi32> to vector<64x512xi32>
    %eq3A_47 = arith.cmpi eq, %iota3A, %eq3A_46 : vector<64x512xi32>
    %convert_element_type3A_48 = arith.extui %eq3A_28 : vector<64x512xi1> to vector<64x512xi32>
    %convert_element_type3A_49 = arith.sitofp %convert_element_type3A_48 : vector<64x512xi32> to vector<64x512xf32>
    %convert_element_type3A_50 = arith.truncf %convert_element_type3A_49 : vector<64x512xf32> to vector<64x512xbf16>
    %convert_element_type3A_51 = arith.extui %eq3A_47 : vector<64x512xi1> to vector<64x512xi32>
    %convert_element_type3A_52 = arith.sitofp %convert_element_type3A_51 : vector<64x512xi32> to vector<64x512xf32>
    %convert_element_type3A_53 = arith.truncf %convert_element_type3A_52 : vector<64x512xf32> to vector<64x512xbf16>
    %concatenate3A_54 = tpu.concatenate %convert_element_type3A_50, %convert_element_type3A_53 in 0 : vector<64x512xbf16>, vector<64x512xbf16> -> vector<128x512xbf16>
    %get3A_55 = arith.constant 0 : index
    %get3A_56 = arith.constant 0 : index
    %get3A_57 = vector.load %arg14[%get3A_55, %get3A_56] : memref<512x512xbf16, #tpu.memory_space<vmem>>, vector<512x512xbf16>
    %dot_general3A_58 = arith.constant dense<0.000000e+00> : vector<128x512xf32>
    %dot_general3A_59 = tpu.matmul %concatenate3A_54, %get3A_57, %dot_general3A_58 {dimension_numbers = #tpu.dot_dimension_numbers<[1], [0], [0], [1], [0, 0, 1, 1], [], []>, transpose_lhs_hint = false} : vector<128x512xbf16>, vector<512x512xbf16>, vector<128x512xf32> -> vector<128x512xf32>
    %convert_element_type3A_60 = arith.extf %concatenate3A_54 : vector<128x512xbf16> to vector<128x512xf32>
    %get3A_61 = arith.constant 0 : index
    %get3A_62 = arith.constant 0 : index
    %get3A_63 = vector.load %arg13[%get3A_61, %get3A_62] : memref<128x1xf32, #tpu.memory_space<vmem>>, vector<128x1xf32>
    %add3A_64 = vector.broadcast %get3A_63 : vector<128x1xf32> to vector<128x512xf32>
    %add3A_65 = arith.addf %add3A_64, %dot_general3A_59 : vector<128x512xf32>
    %mul3A = arith.mulf %convert_element_type3A_60, %add3A_65 : vector<128x512xf32>
    %slice3A = vector.extract_strided_slice %mul3A {offsets = [0, 0], sizes = [64, 512], strides = [1, 1]} : vector<128x512xf32> to vector<64x512xf32>
    %reduce_sum3A_66 = arith.constant dense<0.000000e+00> : vector<512xf32>
    %reduce_sum3A_67 = vector.multi_reduction <add>, %slice3A, %reduce_sum3A_66 [0] : vector<64x512xf32> to vector<512xf32>
    %broadcast_in_dim3A_68 = vector.shape_cast %reduce_sum3A_67 : vector<512xf32> to vector<1x512xf32>
    %swap3A = arith.constant 0 : index
    %swap3A_69 = arith.constant 0 : index
    %swap3A_70 = vector.load %arg9[%swap3A, %swap3A_69] : memref<1x512xf32, #tpu.memory_space<vmem>>, vector<1x512xf32>
    tpu.vector_store %arg9[%swap3A, %swap3A_69], %broadcast_in_dim3A_68 {strides = array<i32>} : memref<1x512xf32, #tpu.memory_space<vmem>>, vector<1x512xf32>,
    %slice3A_71 = vector.extract_strided_slice %mul3A {offsets = [64, 0], sizes = [64, 512], strides = [1, 1]} : vector<128x512xf32> to vector<64x512xf32>
    %reduce_sum3A_72 = arith.constant dense<0.000000e+00> : vector<512xf32>
    %reduce_sum3A_73 = vector.multi_reduction <add>, %slice3A_71, %reduce_sum3A_72 [0] : vector<64x512xf32> to vector<512xf32>
    %broadcast_in_dim3A_74 = vector.shape_cast %reduce_sum3A_73 : vector<512xf32> to vector<1x512xf32>
    %swap3A_75 = arith.constant 0 : index
    %swap3A_76 = arith.constant 0 : index
    %swap3A_77 = vector.load %arg10[%swap3A_75, %swap3A_76] : memref<1x512xf32, #tpu.memory_space<vmem>>, vector<1x512xf32>
    tpu.vector_store %arg10[%swap3A_75, %swap3A_76], %broadcast_in_dim3A_74 {strides = array<i32>} : memref<1x512xf32, #tpu.memory_space<vmem>>, vector<1x512xf32>,
    %mul3A_78 = vector.broadcast %div3A_21 : vector<1x512xf32> to vector<64x512xf32>
    %mul3A_79 = arith.mulf %exp3A, %mul3A_78 : vector<64x512xf32>
    %jit3A_80 = arith.constant 0.000000e+00 : f32
    %broadcast_in_dim3A_81 = vector.broadcast %jit3A_80 : f32 to vector<64x512xf32>
    %select_n3A_82 = arith.select %eq3A_28, %mul3A_79, %broadcast_in_dim3A_81 : vector<64x512xi1>, vector<64x512xf32>
    %reduce_sum3A_83 = arith.constant dense<0.000000e+00> : vector<512xf32>
    %reduce_sum3A_84 = vector.multi_reduction <add>, %select_n3A_82, %reduce_sum3A_83 [0] : vector<64x512xf32> to vector<512xf32>
    %broadcast_in_dim3A_85 = vector.shape_cast %reduce_sum3A_84 : vector<512xf32> to vector<1x512xf32>
    %swap3A_86 = arith.constant 0 : index
    %swap3A_87 = arith.constant 0 : index
    %swap3A_88 = vector.load %arg7[%swap3A_86, %swap3A_87] : memref<1x512xf32, #tpu.memory_space<vmem>>, vector<1x512xf32>
    tpu.vector_store %arg7[%swap3A_86, %swap3A_87], %broadcast_in_dim3A_85 {strides = array<i32>} : memref<1x512xf32, #tpu.memory_space<vmem>>, vector<1x512xf32>,
    %jit3A_89 = arith.constant 0.000000e+00 : f32
    %broadcast_in_dim3A_90 = vector.broadcast %jit3A_89 : f32 to vector<64x512xf32>
    %select_n3A_91 = arith.select %eq3A_47, %mul3A_79, %broadcast_in_dim3A_90 : vector<64x512xi1>, vector<64x512xf32>
    %reduce_sum3A_92 = arith.constant dense<0.000000e+00> : vector<512xf32>
    %reduce_sum3A_93 = vector.multi_reduction <add>, %select_n3A_91, %reduce_sum3A_92 [0] : vector<64x512xf32> to vector<512xf32>
    %broadcast_in_dim3A_94 = vector.shape_cast %reduce_sum3A_93 : vector<512xf32> to vector<1x512xf32>
    %swap3A_95 = arith.constant 0 : index
    %swap3A_96 = arith.constant 0 : index
    %swap3A_97 = vector.load %arg8[%swap3A_95, %swap3A_96] : memref<1x512xf32, #tpu.memory_space<vmem>>, vector<1x512xf32>
    tpu.vector_store %arg8[%swap3A_95, %swap3A_96], %broadcast_in_dim3A_94 {strides = array<i32>} : memref<1x512xf32, #tpu.memory_space<vmem>>, vector<1x512xf32>,
    %convert_element_type3A_98 = arith.sitofp %broadcast_in_dim3A_26 : vector<1x512xi32> to vector<1x512xf32>
    %swap3A_99 = arith.constant 0 : index
    %swap3A_100 = arith.constant 0 : index
    %swap3A_101 = vector.load %arg5[%swap3A_99, %swap3A_100] : memref<1x512xf32, #tpu.memory_space<vmem>>, vector<1x512xf32>
    tpu.vector_store %arg5[%swap3A_99, %swap3A_100], %convert_element_type3A_98 {strides = array<i32>} : memref<1x512xf32, #tpu.memory_space<vmem>>, vector<1x512xf32>,
    %convert_element_type3A_102 = arith.sitofp %broadcast_in_dim3A_45 : vector<1x512xi32> to vector<1x512xf32>
    %swap3A_103 = arith.constant 0 : index
    %swap3A_104 = arith.constant 0 : index
    %swap3A_105 = vector.load %arg6[%swap3A_103, %swap3A_104] : memref<1x512xf32, #tpu.memory_space<vmem>>, vector<1x512xf32>
    tpu.vector_store %arg6[%swap3A_103, %swap3A_104], %convert_element_type3A_102 {strides = array<i32>} : memref<1x512xf32, #tpu.memory_space<vmem>>, vector<1x512xf32>,
    %slice3A_106 = vector.extract_strided_slice %dot_general3A_59 {offsets = [0, 511], sizes = [128, 1], strides = [1, 1]} : vector<128x512xf32> to vector<128x1xf32>
    %add3A_107 = arith.addf %get3A_63, %slice3A_106 : vector<128x1xf32>
    %slice3A_108 = vector.extract_strided_slice %convert_element_type3A_60 {offsets = [0, 511], sizes = [128, 1], strides = [1, 1]} : vector<128x512xf32> to vector<128x1xf32>
    %add3A_109 = arith.addf %add3A_107, %slice3A_108 : vector<128x1xf32>
    %swap3A_110 = arith.constant 0 : index
    %swap3A_111 = arith.constant 0 : index
    %swap3A_112 = vector.load %arg13[%swap3A_110, %swap3A_111] : memref<128x1xf32, #tpu.memory_space<vmem>>, vector<128x1xf32>
    tpu.vector_store %arg13[%swap3A_110, %swap3A_111], %add3A_109 {strides = array<i32>} : memref<128x1xf32, #tpu.memory_space<vmem>>, vector<128x1xf32>,
    %get3A_113 = arith.constant 0 : index
    %get3A_114 = arith.constant 0 : index
    %get3A_115 = vector.load %arg15[%get3A_113, %get3A_114] : memref<64x512xf32, #tpu.memory_space<vmem>>, vector<64x512xf32>
    %add3A_116 = arith.addf %get3A_115, %mul3A_79 : vector<64x512xf32>
    %swap3A_117 = arith.constant 0 : index
    %swap3A_118 = arith.constant 0 : index
    %swap3A_119 = vector.load %arg15[%swap3A_117, %swap3A_118] : memref<64x512xf32, #tpu.memory_space<vmem>>, vector<64x512xf32>
    tpu.vector_store %arg15[%swap3A_117, %swap3A_118], %add3A_116 {strides = array<i32>} : memref<64x512xf32, #tpu.memory_space<vmem>>, vector<64x512xf32>,
    %eq3A_120 = arith.constant 63 : i32
    %eq3A_121 = arith.cmpi eq, %arg0, %eq3A_120 : i32
    %convert_element_type3A_122 = arith.extui %eq3A_121 : i1 to i32
    %cond3A_123 = arith.constant 0 : i32
    %cond3A_124 = arith.cmpi ne, %convert_element_type3A_122, %cond3A_123 : i32
    scf.if %cond3A_124 {
      %get3A_125 = arith.constant 0 : index
      %get3A_126 = arith.constant 0 : index
      %get3A_127 = vector.load %arg15[%get3A_125, %get3A_126] : memref<64x512xf32, #tpu.memory_space<vmem>>, vector<64x512xf32>
      %reduce_sum3A_128 = arith.constant dense<0.000000e+00> : vector<64xf32>
      %reduce_sum3A_129 = vector.multi_reduction <add>, %get3A_127, %reduce_sum3A_128 [1] : vector<64x512xf32> to vector<64xf32>
      %broadcast_in_dim3A_130 = vector.shape_cast %reduce_sum3A_129 : vector<64xf32> to vector<64x1xf32>
      %slice3A_131 = vector.extract_strided_slice %add3A_109 {offsets = [0, 0], sizes = [64, 1], strides = [1, 1]} : vector<128x1xf32> to vector<64x1xf32>
      %mul3A_132 = arith.mulf %broadcast_in_dim3A_130, %slice3A_131 : vector<64x1xf32>
      %reduce_sum3A_133 = arith.constant dense<0.000000e+00> : vector<1xf32>
      %reduce_sum3A_134 = vector.multi_reduction <add>, %mul3A_132, %reduce_sum3A_133 [0] : vector<64x1xf32> to vector<1xf32>
      %broadcast_in_dim3A_135 = vector.shape_cast %reduce_sum3A_134 : vector<1xf32> to vector<1x1xf32>
      %mul3A_136 = arith.constant 5.96046448E-8 : f32
      %mul3A_137 = vector.broadcast %mul3A_136 : f32 to vector<1x1xf32>
      %mul3A_138 = arith.mulf %broadcast_in_dim3A_135, %mul3A_137 : vector<1x1xf32>
      %swap3A_139 = arith.constant 0 : index
      %swap3A_140 = arith.constant 0 : index
      %swap3A_141 = vector.load %arg11[%swap3A_139, %swap3A_140] : memref<1x1xf32, #tpu.memory_space<vmem>>, vector<1x1xf32>
      tpu.vector_store %arg11[%swap3A_139, %swap3A_140], %mul3A_138 {strides = array<i32>} : memref<1x1xf32, #tpu.memory_space<vmem>>, vector<1x1xf32>,
      %swap3A_142 = arith.constant 0 : index
      %swap3A_143 = arith.constant 0 : index
      %swap3A_144 = vector.load %arg12[%swap3A_142, %swap3A_143] : memref<64x1xf32, #tpu.memory_space<vmem>>, vector<64x1xf32>
      tpu.vector_store %arg12[%swap3A_142, %swap3A_143], %slice3A_131 {strides = array<i32>} : memref<64x1xf32, #tpu.memory_space<vmem>>, vector<64x1xf32>,
    } else {
    }
    return
  }
  func.func @transform_0(%arg0: i32) -> (i32, i32) {
    %mul3A = arith.constant 2 : i32
    %mul3A_0 = arith.muli %mul3A, %arg0 : i32
    %c0_i32 = arith.constant 0 : i32
    %c0_i32_1 = arith.constant 0 : i32
    return %mul3A_0, %c0_i32 : i32, i32
  }
  func.func @transform_1(%arg0: i32) -> (i32, i32) {
    %mul3A = arith.constant 2 : i32
    %mul3A_0 = arith.muli %mul3A, %arg0 : i32
    %add3A = arith.constant 1 : i32
    %add3A_1 = arith.addi %mul3A_0, %add3A : i32
    %c0_i32 = arith.constant 0 : i32
    %c0_i32_2 = arith.constant 0 : i32
    return %add3A_1, %c0_i32 : i32, i32
  }
  func.func @transform_2(%arg0: i32) -> (i32, i32) {
    %c0_i32 = arith.constant 0 : i32
    %c0_i32_0 = arith.constant 0 : i32
    %c0_i32_1 = arith.constant 0 : i32
    return %c0_i32, %c0_i32_0 : i32, i32
  }
  func.func @transform_3(%arg0: i32) -> (i32, i32) {
    %c0_i32 = arith.constant 0 : i32
    %c0_i32_0 = arith.constant 0 : i32
    return %c0_i32, %arg0 : i32, i32
  }
  func.func @transform_4(%arg0: i32) -> (i32, i32) {
    %c0_i32 = arith.constant 0 : i32
    %c0_i32_0 = arith.constant 0 : i32
    return %c0_i32, %arg0 : i32, i32
  }
  func.func @transform_5(%arg0: i32) -> (i32, i32) {
    %c0_i32 = arith.constant 0 : i32
    %c0_i32_0 = arith.constant 0 : i32
    return %c0_i32, %arg0 : i32, i32
  }
  func.func @transform_6(%arg0: i32) -> (i32, i32) {
    %c0_i32 = arith.constant 0 : i32
    %c0_i32_0 = arith.constant 0 : i32
    return %c0_i32, %arg0 : i32, i32
  }
  func.func @transform_7(%arg0: i32) -> (i32, i32) {
    %c0_i32 = arith.constant 0 : i32
    %c0_i32_0 = arith.constant 0 : i32
    return %c0_i32, %arg0 : i32, i32
  }
  func.func @transform_8(%arg0: i32) -> (i32, i32) {
    %c0_i32 = arith.constant 0 : i32
    %c0_i32_0 = arith.constant 0 : i32
    return %c0_i32, %arg0 : i32, i32
  }
  func.func @transform_9(%arg0: i32) -> (i32, i32) {
    %c0_i32 = arith.constant 0 : i32
    %c0_i32_0 = arith.constant 0 : i32
    return %c0_i32, %arg0 : i32, i32
  }
  func.func @transform_10(%arg0: i32) -> (i32, i32) {
    %c0_i32 = arith.constant 0 : i32
    %c0_i32_0 = arith.constant 0 : i32
    %c0_i32_1 = arith.constant 0 : i32
    return %c0_i32, %c0_i32_0 : i32, i32
  }
  func.func @transform_11(%arg0: i32) -> (i32, i32) {
    %c0_i32 = arith.constant 0 : i32
    %c0_i32_0 = arith.constant 0 : i32
    %c0_i32_1 = arith.constant 0 : i32
    return %c0_i32, %c0_i32_0 : i32, i32
  }
}

</mosaic_0001>

<sc_bundles>
// kernel: kernel.4.cloned.1.call-start
scs
__scs_entry_jumppad:
0x0: {  	(pc) =	sbr.rel $0x88, $3  }
0x1: {  	(tag) =	ssettag $0x0;
	lr =	simm.s32 $0x1  }
0x2: {  	[smem:$0x3F9F] =	sst lr;
	_ =	strace $0xD0000000  }
0x3: {  	_ = 	snop  }
0x4: {  	_ = 	snop  }
0x5: {  	_ = 	snop  }
0x6: {  	_ = 	snop  }
0x7: {  	_ = 	snop  }
__scs_overlays_trampoline_lowered:
0x8: {  	[smem:$0x3FAE] =	sst s0  }
0x9: {  	[smem:$0x3FAF] =	sst s1  }
0xa: {  	[smem:$0x3FB0] =	sst s2  }
0xb: {  	[smem:$0x3FB1] =	sst s3  }
0xc: {  	[smem:$0x3FB2] =	sst s4  }
0xd: {  	[smem:$0x3FB3] =	sst s5  }
0xe: {  	[smem:$0x3FB4] =	sst s6  }
0xf: {  	[smem:$0x3FB5] =	sst s7  }
0x10: {  	[smem:$0x3FB6] =	sst s8  }
0x11: {  	[smem:$0x3FB7] =	sst s9;
	s0 =	simm.s32 @!p0 $0x0  }
0x12: {  	s1 =	sld [smem:$0x3F9D];
	s0 =	simm.s32 @p0 $0x1  }
0x13: {  	[smem:$0x3FB8] =	sst s0;
	s0 =	simm.s32 @!p1 $0x0  }
0x14: {  	s2 =	sld [smem:$0x3F9C];
	s0 =	simm.s32 @p1 $0x1  }
0x15: {  	[smem:$0x3FB9] =	sst s0;
	s0 =	simm.s32 @!p2 $0x0  }
0x16: {  	s3 =	sld [smem:$0x3FDB];
	s0 =	simm.s32 @p2 $0x1  }
0x17: {  	s4 =	simm.s32 $0x1BF5;
	[smem:$0x3FBB] =	sst s0  }
0x18: {  	s0 =	sld [smem:$0x3F9E];
	_ =	swait.ge [sflag:s4], $0x0  }
0x19: {  	s7 =	sld [smem:$0x3F9F]  }
0x1a: {  	s8 =	sadd.s32 $0xFFFFE003, lr  }
0x1b: {  	s9 =	sadd.s32 $0xFFFFFEF7, lr;
	s5 =	simm.s32 $0xFFFFFFFF;
	p2 =	slt.u32 s8, $0xFFFFF086  }
0x1c: {  	p1 =	slt.u32 s9, $0xF7A;
	s5 =	simm.s32 @!p2 $0x0  }
0x1d: {  	s5 =	simm.s32 @p1 $0x1;
	p0 =	seq.s32 s7, s2  }
0x1e: {  	s7 =	smul.u32 @!p0 $0xF7A, s2;
	p2 =	seq.s32 @!p0 s5, $0x0  }
0x1f: {  	s9 =	smul.u32 $0xF7A, s1;
	s8 =	simm.s32 @!p0 $0x1BF5;
	p2 =	por !p2, p0  }
0x20: {  	[sflag:s8] =	ssyncset.s32 @!p0 $0xFFFFF086;
	s6 =	sadd.s32 @!p0 s3, s7;
	s7 =	simm.s32 @!p0 $0x108  }
0x21: {  	s3 =	sadd.s32 s3, s9;
	s6 =	sadd.s32 @!p0 $0x88, s6;
	s7 =	simm.s32 @p2 $0x1082  }
0x22: {  	[simem:s7], [sflag:s8] =	dma.local @!p0 [hbm:s6], $0xF7A  }
0x23: {  	s9 =	sor.u32 $0xD0000000, s2;
	s6 =	simm.s32 $0x108;
	_ =	swait.ge @!p0 [sflag:s8], $0x0  }
0x24: {  	s3 =	sadd.s32 $0x88, s3;
	s6 =	simm.s32 @!p1 $0x1082;
	[sflag:s4] =	ssyncset.s32 $0xFFFFF086  }
0x25: {  	[simem:s6], [sflag:s4] =	dma.local [hbm:s3], $0xF7A  }
0x26: {  	[smem:$0x3F9F] =	sst s1;
	(tag) =	ssettag s2;
	_ =	strace s9  }
0x27: {  	s1 =	sld [smem:$0x3FAF]  }
0x28: {  	s2 =	sld [smem:$0x3FB0]  }
0x29: {  	s4 =	sld [smem:$0x3FB2]  }
0x2a: {  	p0 =	seq.s32 s5, $0x0;
	s5 =	sld [smem:$0x3FB3]  }
0x2b: {  	s6 =	sld [smem:$0x3FB4]  }
0x2c: {  	s7 =	sld [smem:$0x3FB5]  }
0x2d: {  	s3 =	simm.s32 $0x108;
	s8 =	sld [smem:$0x3FB6]  }
0x2e: {  	s3 =	simm.s32 @!p0 $0x1082;
	s9 =	sld [smem:$0x3FB7]  }
0x2f: {  	lr =	sadd.s32 s0, s3;
	s0 =	sld [smem:$0x3FAE]  }
0x30: {  	s3 =	sld [smem:$0x3FB1]  }
0x31: {  	[smem:$0x3FBA] =	sst s10  }
0x32: {  	s10 =	sld [smem:$0x3FB8];
	_ =	sdelay $0x3  }
0x33: {  	p0 =	seq.s32 s10, $0x1;
	s10 =	sld [smem:$0x3FBA];
	_ =	sdelay $0x3  }
0x34: {  	[smem:$0x3FBA] =	sst s10  }
0x35: {  	s10 =	sld [smem:$0x3FB9];
	_ =	sdelay $0x3  }
0x36: {  	p1 =	seq.s32 s10, $0x1;
	s10 =	sld [smem:$0x3FBA];
	_ =	sdelay $0x3  }
0x37: {  	[smem:$0x3FBA] =	sst s10  }
0x38: {  	s10 =	sld [smem:$0x3FBB]  }
0x39: {  	_ = 	snop;
	(pc) =	sbr.ind lr, $3  }
0x3a: {  	_ = 	snop  }
0x3b: {  	_ = 	snop  }
0x3c: {  	p2 =	seq.s32 s10, $0x1;
	s10 =	sld [smem:$0x3FBA]  }
0x3d: {  	_ =	shalt  }
0x3e: {  	_ =	shalt  }
0x3f: {  	_ =	shalt  }
0x40: {  	_ =	shalt  }
0x41: {  	_ =	shalt  }
0x42: {  	_ =	shalt  }
0x43: {  	_ =	shalt  }
0x44: {  	_ =	shalt  }
0x45: {  	_ =	shalt  }
0x46: {  	_ =	shalt  }
0x47: {  	_ =	shalt  }
0x48: {  	_ =	shalt  }
0x49: {  	_ =	shalt  }
0x4a: {  	_ =	shalt  }
0x4b: {  	_ =	shalt  }
0x4c: {  	_ =	shalt  }
0x4d: {  	_ =	shalt  }
0x4e: {  	_ =	shalt  }
0x4f: {  	_ =	shalt  }
0x50: {  	_ =	shalt  }
0x51: {  	_ =	shalt  }
0x52: {  	_ =	shalt  }
0x53: {  	_ =	shalt  }
0x54: {  	_ =	shalt  }
0x55: {  	_ =	shalt  }
0x56: {  	_ =	shalt  }
0x57: {  	_ =	shalt  }
0x58: {  	_ =	shalt  }
0x59: {  	_ =	shalt  }
0x5a: {  	_ =	shalt  }
0x5b: {  	_ =	shalt  }
0x5c: {  	_ =	shalt  }
0x5d: {  	_ =	shalt  }
0x5e: {  	_ =	shalt  }
0x5f: {  	_ =	shalt  }
0x60: {  	_ =	shalt  }
0x61: {  	_ =	shalt  }
0x62: {  	_ =	shalt  }
0x63: {  	_ =	shalt  }
0x64: {  	_ =	shalt  }
0x65: {  	_ =	shalt  }
0x66: {  	_ =	shalt  }
0x67: {  	_ =	shalt  }
0x68: {  	_ =	shalt  }
0x69: {  	_ =	shalt  }
0x6a: {  	_ =	shalt  }
0x6b: {  	_ =	shalt  }
0x6c: {  	_ =	shalt  }
0x6d: {  	_ =	shalt  }
0x6e: {  	_ =	shalt  }
0x6f: {  	_ =	shalt  }
0x70: {  	_ =	shalt  }
0x71: {  	_ =	shalt  }
0x72: {  	_ =	shalt  }
0x73: {  	_ =	shalt  }
0x74: {  	_ =	shalt  }
0x75: {  	_ =	shalt  }
0x76: {  	_ =	shalt  }
0x77: {  	_ =	shalt  }
0x78: {  	_ =	shalt  }
0x79: {  	_ =	shalt  }
0x7a: {  	_ =	shalt  }
0x7b: {  	_ =	shalt  }
0x7c: {  	_ =	shalt  }
0x7d: {  	_ =	shalt  }
0x7e: {  	_ =	shalt  }
0x7f: {  	_ =	shalt  }
0x80: {  	_ =	shalt  }
0x81: {  	_ =	shalt  }
0x82: {  	_ =	shalt  }
0x83: {  	_ =	shalt  }
0x84: {  	_ =	shalt  }
0x85: {  	_ =	shalt  }
0x86: {  	_ =	shalt  }
0x87: {  	_ =	shalt  }
.Lfunc_end0:
.L_simem_size_0:
called_computation_lowered:
.L_overlay_start_0:
0x88: {  	s2 =	sld [smem:$0x3FD9]  }
0x89: {  	s3 =	sld [smem:$0x3FFE];
	_ =	sdelay $0x1  }
0x8a: {  	s1 =	srdreg.scid  }
0x8b: {  	s0 =	sand.u32 $0x1, s1  }
0x8c: {  	s14 =	sshll.u32 s0, $0xA;
	s2 =	sadd.s32 s3, s2  }
0x8d: {  	s2 =	sadd.s32 s2, s14  }
0x8e: {  	[smem:$0x3FC6] =	sst s2  }
0x8f: {  	_ = 	snop  }
0x90: {  	s2 =	sld [smem:$0x3FD0];
	_ =	sdelay $0x2  }
0x91: {  	s15 =	simm.s32 $0xA;
	s4 =	simm.s32 $0x10  }
0x92: {  	[smem:s4], [sflag:s15] =	dma.local [hbm:s2], $0x1  }
0x93: {  	_ =	swait.eq [sflag:s15], $0x1  }
0x94: {  	[sflag:s15] =	ssyncset.done $0x0  }
0x95: {  	[sflag:s15] =	ssyncadd.s32 $0xFFFFFFFF  }
0x96: {  	s16 =	sld [smem:$0x11];
	(tm) =	ssettm $0x1  }
0x97: {  	s17 =	sld [smem:$0x3FFB];
	_ =	sdelay $0x3  }
0x98: {  	_ =	strace s17  }
0x99: {  	s3 =	sld [smem:$0x3FFC];
	_ =	sdelay $0x3  }
0x9a: {  	_ =	strace s3  }
0x9b: {  	s3 =	sld [smem:$0x3FFD];
	_ =	sdelay $0x3  }
0x9c: {  	_ =	strace s3  }
0x9d: {  	_ =	strace $0x8FFFFFFF  }
0x9e: {  	s18 =	sld [smem:$0x3FDB];
	_ =	sdelay $0x1  }
0x9f: {  	s19 =	simm.s32 $_scs_section_size  }
0xa0: {  	s5 =	simm.s32 $_size__tile_overlayer_lowered;
	s6 =	simm.s32 $_tile_overlayer_lowered  }
0xa1: {  	s22 =	simm.s32 $0x1BFF;
	s21 =	sshll.u32 s6, $0x1;
	s3 =	sadd.s32 s19, s18  }
0xa2: {  	s7 =	simm.s32 $0x0;
	s20 =	sshll.u32 s5, $0x1;
	s5 =	sadd.s32 s21, s3  }
0xa3: {  	[timem:s7], [sflag:s22] =	dma.local [hbm:s5], s20  }
0xa4: {  	_ =	swait.ge [sflag:s22], s20  }
0xa5: {  	s4 =	ssub.s32 $0x0, s20;
	[sflag:s22] =	ssyncset.done $0x0  }
0xa6: {  	[sflag:s22] =	ssyncadd.s32 s4;
	_ =	sdelay $0x1  }
0xa7: {  	s23 =	simm.s32 $0x1B8B  }
0xa8: {  	_ =	swait.ge [sflag:s23], $0x1  }
0xa9: {  	[sflag:s23] =	ssyncset.done $0x0  }
0xaa: {  	s25 =	simm.s32 $0x1B8E;
	s24 =	sld [smem:$0x3FFE];
	[sflag:s23] =	ssyncadd.s32 $0xFFFFFFFF  }
0xab: {  	s26 =	simm.s32 $execute0_lowered;
	[smem:$0x3FD2] =	sst s25  }
0xac: {  	s5 =	sshll.u32 s26, $0x1;
	_ =	strace $0x80000046;
	[dreg:$0x1] =	wrdreg $0xFFFFFFFF  }
0xad: {  	s28 =	simm.s32 $_size_execute0_lowered;
	s3 =	sadd.s32 s3, s5;
	[dreg:$0x0] =	wrdreg $0x0  }
0xae: {  	s5 =	sshll.u32 s28, $0x1;
	[dreg:$0x2] =	wrdreg s3  }
0xaf: {  	[dreg:$0x3] =	wrdreg s5  }
0xb0: {  	[dreg:$0x4] =	wrdreg $0xC0  }
0xb1: {  	_ =	task [dreg:s7], $0x5FFFF  }
0xb2: {  	[dreg:$0x1] =	wrdreg $0xFFFFFFFF  }
0xb3: {  	[dreg:$0x0] =	wrdreg $0x60  }
0xb4: {  	[dreg:$0x2] =	wrdreg s16  }
0xb5: {  	[dreg:$0x3] =	wrdreg s24  }
0xb6: {  	[dreg:$0x4] =	wrdreg $0x9  }
0xb7: {  	_ =	task.clear_ibuf [dreg:s7], $0x5FFFF;
	_ =	strace $0x90000046  }
0xb8: {  	s29 =	simm.s32 $0x9;
	_ =	strace $0x80000048  }
0xb9: {  	_ =	swait.ge [sflag:s29], $0x1  }
0xba: {  	[sflag:s29] =	ssyncadd.s32 $0xFFFFFFFF  }
0xbb: {  	_ =	strace $0x90000048  }
0xbc: {  	_ =	sfence  }
0xbd: {  	s30 =	sld [smem:$0x0];
	_ =	sdelay $0x2  }
0xbe: {  	s31 =	sshll.u32 s1, $0xD;
	s1 =	sshrl.u32 s1, $0x2  }
0xbf: {  	s3 =	sand.u32 $0x4000, s31;
	s1 =	sadd.s32 s1, s30  }
0xc0: {  	s0 =	sor.u32 s3, s0;
	s1 =	sshll.u32 s1, $0x11  }
0xc1: {  	s0 =	sor.u32 s1, s0  }
0xc2: {  	s0 =	sadd.s32 $0x8F2B, s0  }
0xc3: {  	[sflag:s0] =	ssyncadd.remote.s32 $0x1  }
0xc4: {  	_ =	sfence.sel $0xFFFF  }
0xc5: {  	[dreg:$0x0] =	wrdreg $0xFFFFFFFF;
	(pc) =	sbr.abs _section_cstart, $3  }
0xc6: {  	[dreg:$0x1] =	wrdreg $0xFFFFFFFF  }
0xc7: {  	_ =	task.clear_ibuf [dreg:s7], $0x2FFFF;
	_ =	strace $0x9FFFFFFF  }
0xc8: {  	(tm) =	ssettm $0x7FFFFFFF  }
0xc9: {  	_ =	shalt  }
tec
execute0_lowered:
.L_overlay_start_1:
0x0: {  	(tag) =	ssettag $0x1  }
0x1: {  	s0 =	rddreg [dreg:$0x0]  }
0x2: {  	s1 =	rddreg [dreg:$0x1];
	s2 =	srdreg.scid  }
0x3: {  	s4 =	stileid.u32;
	s19 =	simm.s32 $0x400;
	s20 =	simm.s32 $0x800  }
0x4: {  	s21 =	simm.s32 $0xC00;
	s22 =	simm.s32 $0x1000;
	s23 =	simm.s32 $0x1400  }
0x5: {  	s24 =	simm.s32 $0x1800;
	s25 =	simm.s32 $0x1;
	s26 =	simm.s32 $0x3800  }
0x6: {  	s28 =	simm.s32 $0x7800;
	s29 =	simm.s32 $0x2;
	s30 =	simm.s32 $0x0  }
0x7: {  	s3 =	sand.u32 $0x1, s2;
	s2 =	simm.s32 $0x0;
	s4 =	sshll.u32 s4, $0xB  }
0x8: {  	s5 =	sshll.u32 s3, $0xA;
	[smem:$0x7FF] =	sst s2;
	s6 =	ssub.s32 $0x2, s3  }
0x9: {  	s3 =	sadd.s32 $0x6800, s1;
	s4 =	sor.u32 s5, s4;
	_ =	strace $0x80000047  }
0xa: {  	s31 =	sshrl.u32 s6, $0x1;
	s5 =	sshrl.u32 s4, $0x3;
	s4 =	sshll.u32 s4, $0x4  }
0xb: {  	s18 =	ssub.s32 s6, s31;
	s9 =	sadd.s32 s5, s1;
	s1 =	sadd.s32 s4, s1  }
0xc: {  	s4 =	sadd.s32 s0, s5;
	s18 =	smax.u32 s18, $0x1;
	s5 =	sadd.s32 $0x1800, s9  }
0xd: {  	s6 =	sadd.s32 $0x2800, s9;
	s7 =	sadd.s32 $0x3800, s9;
	s8 =	sadd.s32 $0x4800, s9  }
0xe: {  	s9 =	sadd.s32 $0x5800, s9;
	s10 =	sadd.s32 $0x6C00, s1;
	s11 =	sadd.s32 $0x7400, s1  }
0xf: {  	v1 =	vlaneseq.u32;
	s12 =	sadd.s32 $0x7C00, s1;
	s13 =	sadd.s32 $0x8400, s1;
	s14 =	sadd.s32 $0x8C00, s1  }
0x10: {  	v0 =	vimm.f32 $0.0e+00;
	v1 =	vmul.u32 $0x80, v1;
	s15 =	sadd.s32 $0x9400, s1;
	s16 =	sadd.s32 $0x9C00, s1;
	s17 =	sadd.s32 $0xA400, s1  }
.LBB2_1:
0x11: {  	[tilespmem:s2], [sflag:$0x1] =	stream.linear.gather [hbm4b:s4+s2], $0x400, $0x38;
	[tilespmem:$0xB800] =	vst v63  }
0x12: {  	_ = 	snop  }
0x13: {  	[tilespmem:s19], [sflag:$0x1] =	stream.linear.gather [hbm4b:s5+s2], $0x400, $0x38;
	[tilespmem:$0xB800] =	vst v63  }
0x14: {  	_ = 	snop  }
0x15: {  	[tilespmem:s20], [sflag:$0x1] =	stream.linear.gather [hbm4b:s6+s2], $0x400, $0x38;
	[tilespmem:$0xB800] =	vst v63  }
0x16: {  	_ = 	snop  }
0x17: {  	[tilespmem:s21], [sflag:$0x1] =	stream.linear.gather [hbm4b:s7+s2], $0x400, $0x38;
	[tilespmem:$0xB800] =	vst v63  }
0x18: {  	_ = 	snop  }
0x19: {  	[tilespmem:s22], [sflag:$0x1] =	stream.linear.gather [hbm4b:s8+s2], $0x400, $0x38;
	[tilespmem:$0xB800] =	vst v63  }
0x1a: {  	_ = 	snop  }
0x1b: {  	[tilespmem:s23], [sflag:$0x1] =	stream.linear.gather [hbm4b:s9+s2], $0x400, $0x38;
	[tilespmem:$0xB800] =	vst v63  }
0x1c: {  	s0 =	simm.s32 $0x3A00  }
0x1d: {  	[tilespmem:s24], [sflag:$0x1] =	stream.linear.gather [hbm4b:s3+s2], $0x2000, $0x38;
	[tilespmem:$0xB800] =	vst v63  }
0x1e: {  	[tilespmem:s0+$0xFFFFFE00] =	vst v0  }
0x1f: {  	[tilespmem:s0+$0x1B0] =	vst v0  }
0x20: {  	[tilespmem:s0+$0x1A0] =	vst v0  }
0x21: {  	[tilespmem:s0+$0x190] =	vst v0  }
0x22: {  	[tilespmem:s0+$0x180] =	vst v0  }
0x23: {  	[tilespmem:s0+$0x130] =	vst v0  }
0x24: {  	[tilespmem:s0+$0x120] =	vst v0  }
0x25: {  	[tilespmem:s0+$0x110] =	vst v0  }
0x26: {  	[tilespmem:s0+$0x100] =	vst v0  }
0x27: {  	[tilespmem:s0+$0xB0] =	vst v0  }
0x28: {  	[tilespmem:s0+$0xA0] =	vst v0  }
0x29: {  	[tilespmem:s0+$0x90] =	vst v0  }
0x2a: {  	[tilespmem:s0+$0x80] =	vst v0  }
0x2b: {  	[tilespmem:s0+$0x30] =	vst v0  }
0x2c: {  	[tilespmem:s0+$0x20] =	vst v0  }
0x2d: {  	[tilespmem:s0+$0x10] =	vst v0  }
0x2e: {  	[tilespmem:s0+$0x0] =	vst v0  }
0x2f: {  	[tilespmem:s0+$0xFFFFFFB0] =	vst v0  }
0x30: {  	[tilespmem:s0+$0xFFFFFFA0] =	vst v0  }
0x31: {  	[tilespmem:s0+$0xFFFFFF90] =	vst v0  }
0x32: {  	[tilespmem:s0+$0xFFFFFF80] =	vst v0  }
0x33: {  	[tilespmem:s0+$0xFFFFFF30] =	vst v0  }
0x34: {  	[tilespmem:s0+$0xFFFFFF20] =	vst v0  }
0x35: {  	[tilespmem:s0+$0xFFFFFF10] =	vst v0  }
0x36: {  	[tilespmem:s0+$0xFFFFFF00] =	vst v0  }
0x37: {  	[tilespmem:s0+$0xFFFFFEB0] =	vst v0  }
0x38: {  	[tilespmem:s0+$0xFFFFFEA0] =	vst v0  }
0x39: {  	[tilespmem:s0+$0xFFFFFE90] =	vst v0  }
0x3a: {  	[tilespmem:s0+$0xFFFFFE80] =	vst v0  }
0x3b: {  	[tilespmem:s0+$0xFFFFFE30] =	vst v0  }
0x3c: {  	s1 =	simm.s32 $0x0;
	[tilespmem:s0+$0xFFFFFE20] =	vst v0  }
.LBB2_2:
0x3d: {  	s1 =	sadd.s32 $0x8, s1;
	[tilespmem:s0+$0xFFFFFE10] =	vst v0;
	s0 =	sadd.s32 $0x400, s0;
	s31 =	simm.s32 $0x7A00  }
0x3e: {  	[tilespmem:s0+$0xFFFFFE00] =	vst v0;
	p0 =	slt.u32 s1, $0x78  }
0x3f: {  	[tilespmem:s0+$0x1B0] =	vst v0  }
0x40: {  	[tilespmem:s0+$0x1A0] =	vst v0  }
0x41: {  	[tilespmem:s0+$0x190] =	vst v0  }
0x42: {  	[tilespmem:s0+$0x180] =	vst v0  }
0x43: {  	[tilespmem:s0+$0x130] =	vst v0  }
0x44: {  	[tilespmem:s0+$0x120] =	vst v0  }
0x45: {  	[tilespmem:s0+$0x110] =	vst v0  }
0x46: {  	[tilespmem:s0+$0x100] =	vst v0  }
0x47: {  	[tilespmem:s0+$0xB0] =	vst v0  }
0x48: {  	[tilespmem:s0+$0xA0] =	vst v0  }
0x49: {  	[tilespmem:s0+$0x90] =	vst v0  }
0x4a: {  	[tilespmem:s0+$0x80] =	vst v0  }
0x4b: {  	[tilespmem:s0+$0x30] =	vst v0  }
0x4c: {  	[tilespmem:s0+$0x20] =	vst v0  }
0x4d: {  	[tilespmem:s0+$0x10] =	vst v0  }
0x4e: {  	[tilespmem:s0+$0x0] =	vst v0  }
0x4f: {  	[tilespmem:s0+$0xFFFFFFB0] =	vst v0  }
0x50: {  	[tilespmem:s0+$0xFFFFFFA0] =	vst v0  }
0x51: {  	[tilespmem:s0+$0xFFFFFF90] =	vst v0  }
0x52: {  	[tilespmem:s0+$0xFFFFFF80] =	vst v0  }
0x53: {  	[tilespmem:s0+$0xFFFFFF30] =	vst v0  }
0x54: {  	[tilespmem:s0+$0xFFFFFF20] =	vst v0  }
0x55: {  	[tilespmem:s0+$0xFFFFFF10] =	vst v0  }
0x56: {  	[tilespmem:s0+$0xFFFFFF00] =	vst v0  }
0x57: {  	[tilespmem:s0+$0xFFFFFEB0] =	vst v0  }
.Ltmp0:
0x58: {  	[tilespmem:s0+$0xFFFFFEA0] =	vst v0;
	(pc) =	sbr.rel @p0 .LBB2_2-.Ltmp0, $4  }
0x59: {  	[tilespmem:s0+$0xFFFFFE90] =	vst v0  }
0x5a: {  	[tilespmem:s0+$0xFFFFFE80] =	vst v0  }
0x5b: {  	[tilespmem:s0+$0xFFFFFE30] =	vst v0  }
0x5c: {  	[tilespmem:s0+$0xFFFFFE20] =	vst v0  }
0x5d: {  	[tilespmem:s0+$0xFFFFFE10] =	vst v0  }
0x5e: {  	[tilespmem:s31+$0xFFFFFE00] =	vst v0  }
0x5f: {  	[tilespmem:s31+$0x1B0] =	vst v0  }
0x60: {  	[tilespmem:s31+$0x1A0] =	vst v0  }
0x61: {  	[tilespmem:s31+$0x190] =	vst v0  }
0x62: {  	[tilespmem:s31+$0x180] =	vst v0  }
0x63: {  	[tilespmem:s31+$0x130] =	vst v0  }
0x64: {  	[tilespmem:s31+$0x120] =	vst v0  }
0x65: {  	[tilespmem:s31+$0x110] =	vst v0  }
0x66: {  	[tilespmem:s31+$0x100] =	vst v0  }
0x67: {  	[tilespmem:s31+$0xB0] =	vst v0  }
0x68: {  	[tilespmem:s31+$0xA0] =	vst v0  }
0x69: {  	[tilespmem:s31+$0x90] =	vst v0  }
0x6a: {  	[tilespmem:s31+$0x80] =	vst v0  }
0x6b: {  	[tilespmem:s31+$0x30] =	vst v0  }
0x6c: {  	[tilespmem:s31+$0x20] =	vst v0  }
0x6d: {  	[tilespmem:s31+$0x10] =	vst v0  }
0x6e: {  	[tilespmem:s31+$0x0] =	vst v0  }
0x6f: {  	[tilespmem:s31+$0xFFFFFFB0] =	vst v0  }
0x70: {  	[tilespmem:s31+$0xFFFFFFA0] =	vst v0  }
0x71: {  	[tilespmem:s31+$0xFFFFFF90] =	vst v0  }
0x72: {  	[tilespmem:s31+$0xFFFFFF80] =	vst v0  }
0x73: {  	[tilespmem:s31+$0xFFFFFF30] =	vst v0  }
0x74: {  	[tilespmem:s31+$0xFFFFFF20] =	vst v0  }
0x75: {  	[tilespmem:s31+$0xFFFFFF10] =	vst v0  }
0x76: {  	[tilespmem:s31+$0xFFFFFF00] =	vst v0  }
0x77: {  	[tilespmem:s31+$0xFFFFFEB0] =	vst v0  }
0x78: {  	[tilespmem:s31+$0xFFFFFEA0] =	vst v0  }
0x79: {  	[tilespmem:s31+$0xFFFFFE90] =	vst v0  }
0x7a: {  	[tilespmem:s31+$0xFFFFFE80] =	vst v0  }
0x7b: {  	[tilespmem:s31+$0xFFFFFE30] =	vst v0  }
0x7c: {  	s0 =	simm.s32 $0x0;
	[tilespmem:s31+$0xFFFFFE20] =	vst v0  }
.LBB2_4:
0x7d: {  	s0 =	sadd.s32 $0x8, s0;
	[tilespmem:s31+$0xFFFFFE10] =	vst v0;
	s31 =	sadd.s32 $0x400, s31  }
0x7e: {  	[tilespmem:s31+$0xFFFFFE00] =	vst v0;
	p0 =	slt.u32 s0, $0x78  }
0x7f: {  	[tilespmem:s31+$0x1B0] =	vst v0  }
0x80: {  	[tilespmem:s31+$0x1A0] =	vst v0  }
0x81: {  	[tilespmem:s31+$0x190] =	vst v0  }
0x82: {  	[tilespmem:s31+$0x180] =	vst v0  }
0x83: {  	[tilespmem:s31+$0x130] =	vst v0  }
0x84: {  	[tilespmem:s31+$0x120] =	vst v0  }
0x85: {  	[tilespmem:s31+$0x110] =	vst v0  }
0x86: {  	[tilespmem:s31+$0x100] =	vst v0  }
0x87: {  	[tilespmem:s31+$0xB0] =	vst v0  }
0x88: {  	[tilespmem:s31+$0xA0] =	vst v0  }
0x89: {  	[tilespmem:s31+$0x90] =	vst v0  }
0x8a: {  	[tilespmem:s31+$0x80] =	vst v0  }
0x8b: {  	[tilespmem:s31+$0x30] =	vst v0  }
0x8c: {  	[tilespmem:s31+$0x20] =	vst v0  }
0x8d: {  	[tilespmem:s31+$0x10] =	vst v0  }
0x8e: {  	[tilespmem:s31+$0x0] =	vst v0  }
0x8f: {  	[tilespmem:s31+$0xFFFFFFB0] =	vst v0  }
0x90: {  	[tilespmem:s31+$0xFFFFFFA0] =	vst v0  }
0x91: {  	[tilespmem:s31+$0xFFFFFF90] =	vst v0  }
0x92: {  	[tilespmem:s31+$0xFFFFFF80] =	vst v0  }
0x93: {  	[tilespmem:s31+$0xFFFFFF30] =	vst v0  }
0x94: {  	[tilespmem:s31+$0xFFFFFF20] =	vst v0  }
0x95: {  	[tilespmem:s31+$0xFFFFFF10] =	vst v0  }
0x96: {  	[tilespmem:s31+$0xFFFFFF00] =	vst v0  }
0x97: {  	[tilespmem:s31+$0xFFFFFEB0] =	vst v0  }
.Ltmp1:
0x98: {  	[tilespmem:s31+$0xFFFFFEA0] =	vst v0;
	(pc) =	sbr.rel @p0 .LBB2_4-.Ltmp1, $4  }
0x99: {  	[tilespmem:s31+$0xFFFFFE90] =	vst v0  }
0x9a: {  	[tilespmem:s31+$0xFFFFFE80] =	vst v0  }
0x9b: {  	[tilespmem:s31+$0xFFFFFE30] =	vst v0  }
0x9c: {  	[tilespmem:s31+$0xFFFFFE20] =	vst v0  }
0x9d: {  	[tilespmem:s31+$0xFFFFFE10] =	vst v0  }
0x9e: {  	_ =	swait.ge [sflag:s25], $0x400  }
0x9f: {  	[sflag:s25] =	ssyncset.done $0x0  }
0xa0: {  	[sflag:s25] =	ssyncadd.s32 $0xFFFFFC00  }
0xa1: {  	_ =	swait.ge [sflag:s25], $0x400  }
0xa2: {  	[sflag:s25] =	ssyncset.done $0x0  }
0xa3: {  	[sflag:s25] =	ssyncadd.s32 $0xFFFFFC00  }
0xa4: {  	_ =	swait.ge [sflag:s25], $0x400  }
0xa5: {  	[sflag:s25] =	ssyncset.done $0x0  }
0xa6: {  	[sflag:s25] =	ssyncadd.s32 $0xFFFFFC00  }
0xa7: {  	_ =	swait.ge [sflag:s25], $0x400  }
0xa8: {  	[sflag:s25] =	ssyncset.done $0x0  }
0xa9: {  	[sflag:s25] =	ssyncadd.s32 $0xFFFFFC00  }
0xaa: {  	_ =	swait.ge [sflag:s25], $0x400  }
0xab: {  	[sflag:s25] =	ssyncset.done $0x0  }
0xac: {  	[sflag:s25] =	ssyncadd.s32 $0xFFFFFC00  }
0xad: {  	_ =	swait.ge [sflag:s25], $0x400  }
0xae: {  	[sflag:s25] =	ssyncset.done $0x0  }
0xaf: {  	[sflag:s25] =	ssyncadd.s32 $0xFFFFFC00  }
0xb0: {  	_ =	swait.ge [sflag:s25], $0x2000  }
0xb1: {  	[sflag:s25] =	ssyncset.done $0x0  }
0xb2: {  	s31 =	simm.s32 $0x0;
	p0 =	por $0x1, $0x1;
	[sflag:s25] =	ssyncadd.s32 $0xFFFFE000  }
.LBB2_6:
0xb3: {  	v2 =	vld [tilespmem:s31+$0x400]  }
0xb4: {  	v4 =	vld [tilespmem:s31+$0x410]  }
0xb5: {  	v5 =	vld [tilespmem:s31+$0x0]  }
0xb6: {  	v7 =	vld [tilespmem:s31+$0x1000]  }
0xb7: {  	v9 =	vld [tilespmem:s31+$0x420]  }
0xb8: {  	v41 =	vld [tilespmem:s31+$0x430];
	s1 =	sor.u32 $0x20, s31  }
0xb9: {  	v13 =	vld [tilespmem:s1+$0x0];
	v16 =	vmov s1;
	s1 =	sor.u32 $0x30, s31  }
0xba: {  	s0 =	sor.u32 $0x10, s31;
	v40 =	vmov s31;
	v11 =	vld [tilespmem:s31+$0x1010];
	v21 =	vmov s1;
	v2 =	vtrunc.f32 v2  }
0xbb: {  	v10 =	vld [tilespmem:s0+$0x0];
	v12 =	vmov s0;
	v21 =	vshll.u32 v21, $0x7;
	v2 =	vcvt.f32.s32 v2  }
0xbc: {  	v15 =	vld [tilespmem:s31+$0x1020];
	v44 =	vshll.u32 v12, $0x7;
	v47 =	vshll.u32 v16, $0x7;
	v21 =	vor.u32 v1, v21  }
0xbd: {  	v46 =	vld [tilespmem:s31+$0x1030];
	v4 =	vtrunc.f32 v4;
	v5 =	vtrunc.f32 v5;
	v3 =	vshll.u32 v2, $0x7  }
0xbe: {  	v17 =	vld [tilespmem:s1+$0x0];
	vm1 =	vlt.f32 v7, $5.120000000e+02;
	v9 =	vtrunc.f32 v9;
	v4 =	vcvt.f32.s32 v4  }
0xbf: {  	v7 =	vtrunc.f32 v41;
	vm2 =	vlt.f32 v11, $5.120000000e+02;
	v11 =	vor.u32 v1, v44  }
0xc0: {  	v5 =	vcvt.f32.s32 v5;
	v10 =	vtrunc.f32 v10;
	v8 =	vshll.u32 v4, $0x7  }
0xc1: {  	v6 =	vld [tilespmem:s31+$0x1400];
	vm3 =	vlt.f32 v15, $5.120000000e+02;
	v9 =	vcvt.f32.s32 v9;
	v7 =	vcvt.f32.s32 v7  }
0xc2: {  	vm4 =	vlt.f32 v46, $5.120000000e+02;
	v13 =	vtrunc.f32 v13;
	v10 =	vcvt.f32.s32 v10;
	v3 =	vld.idx.msk [tilespmem:v3+s24+$0x0], $0xffff  }
0xc3: {  	v14 =	vld [tilespmem:s31+$0x1410];
	v13 =	vcvt.f32.s32 v13;
	v49 =	vtrunc.f32 v17;
	v42 =	vand.u32 $0xFFFFFF80, v2  }
0xc4: {  	v18 =	vld [tilespmem:s31+$0x800];
	v2 =	vand.u32 $0x7F, v2;
	v19 =	vshll.u32 v7, $0x7;
	v16 =	vcvt.f32.s32 v49  }
0xc5: {  	v43 =	vshll.u32 v9, $0x7;
	v45 =	vand.u32 $0xFFFFFF80, v10;
	v10 =	vand.u32 $0x7F, v10;
	v8 =	vld.idx.msk [tilespmem:v8+s24+$0x0], $0xffff  }
0xc6: {  	v20 =	vld [tilespmem:s31+$0x810];
	v48 =	vand.u32 $0xFFFFFF80, v13;
	v12 =	vadd.s32 v11, v45;
	v22 =	vand.u32 $0xFFFFFF80, v16  }
0xc7: {  	v50 =	vld [tilespmem:s31+$0x1420];
	v16 =	vand.u32 $0x7F, v16;
	v22 =	vadd.s32 v21, v22;
	v3 =	vadd.f32 v6, v3  }
0xc8: {  	v51 =	vld [tilespmem:s31+$0x1430];
	v10 =	vor.u32 v10, v12;
	v16 =	vor.u32 v16, v22;
	v6 =	vshll.u32 v40, $0x7  }
0xc9: {  	v19 =	vld.idx.msk [tilespmem:v19+s24+$0x0], $0xffff;
	v6 =	vor.u32 v1, v6;
	vm0 =	vlt.f32 v3, $5.120000000e+02;
	v3 =	vand.u32 $0xFFFFFF80, v5  }
0xca: {  	v54 =	vld [tilespmem:s31+$0x830];
	v8 =	vadd.f32 v14, v8;
	v5 =	vand.u32 $0x7F, v5;
	v3 =	vadd.s32 v6, v3  }
0xcb: {  	v14 =	vor.u32 v1, v47;
	v3 =	vor.u32 v5, v3;
	v5 =	vadd.s32 v6, v42;
	v6 =	vld.idx.msk [tilespmem:v43+s24+$0x0], $0xffff  }
0xcc: {  	v53 =	vand.u32 $0xFFFFFF80, v4;
	v13 =	vand.u32 $0x7F, v13;
	v15 =	vadd.s32 v14, v48  }
0xcd: {  	v52 =	vld [tilespmem:s31+$0x820];
	v4 =	vand.u32 $0x7F, v4;
	v60 =	vand.u32 $0xFFFFFF80, v7;
	v13 =	vor.u32 v13, v15  }
0xce: {  	v7 =	vand.u32 $0x7F, v7;
	v61 =	vadd.s32 v21, v60;
	[tilespmem:v10+s26+$0x0] =	vst.idx.msk vm2, v20;
	v57 =	vadd.f32 v51, v19  }
0xcf: {  	[tilespmem:v16+s26+$0x0] =	vst.idx.msk vm4, v54;
	vm5 =	vlt.f32 v8, $5.120000000e+02;
	v2 =	vor.u32 v2, v5;
	v5 =	vadd.s32 v11, v53  }
0xd0: {  	v59 =	vld [tilespmem:s31+$0xC10];
	vm15 =	vlt.f32 v57, $5.120000000e+02;
	[tilespmem:v3+s26+$0x0] =	vst.idx.msk vm1, v18;
	v3 =	vor.u32 v4, v5;
	v55 =	vadd.f32 v50, v6  }
0xd1: {  	v56 =	vand.u32 $0xFFFFFF80, v9;
	v63 =	vld [tilespmem:s31+$0xC30];
	v6 =	vor.u32 v7, v61  }
0xd2: {  	v9 =	vand.u32 $0x7F, v9;
	[tilespmem:v13+s26+$0x0] =	vst.idx.msk vm3, v52;
	v5 =	vadd.s32 v14, v56;
	v58 =	vld [tilespmem:s31+$0xC00];
	vm14 =	vlt.f32 v55, $5.120000000e+02  }
0xd3: {  	p1 =	por p0, p0;
	v62 =	vld [tilespmem:s31+$0xC20];
	v5 =	vor.u32 v9, v5  }
.Ltmp2:
0xd4: {  	_ = 	snop;
	(pc) =	sbr.rel @p1 .LBB2_6-.Ltmp2, $4  }
0xd5: {  	[tilespmem:v3+s26+$0x0] =	vst.idx.msk vm5, v59  }
0xd6: {  	[tilespmem:v6+s26+$0x0] =	vst.idx.msk vm15, v63  }
0xd7: {  	[tilespmem:v2+s26+$0x0] =	vst.idx.msk vm0, v58  }
0xd8: {  	p0 =	por $0x0, $0x0;
	s31 =	simm.s32 $0x40;
	[tilespmem:v5+s26+$0x0] =	vst.idx.msk vm14, v62  }
0xd9: {  	s31 =	simm.s32 $0x0;
	p0 =	por $0x1, $0x1  }
0xda: {  	[hbm4b:s10+s31] =	stream.linear.scatter [tilespmem:s26], [sflag:$0x2], $0x4000, $0x38;
	[tilespmem:$0xB800] =	vst v63  }
.LBB2_8:
0xdb: {  	v2 =	vld [tilespmem:s31+$0x480]  }
0xdc: {  	v3 =	vld [tilespmem:s31+$0x490]  }
0xdd: {  	v7 =	vld [tilespmem:s31+$0x1080]  }
0xde: {  	v11 =	vld [tilespmem:s31+$0x4A0]  }
0xdf: {  	v12 =	vld [tilespmem:s31+$0x1090]  }
0xe0: {  	v13 =	vld [tilespmem:s31+$0x4B0]  }
0xe1: {  	s0 =	sor.u32 $0x80, s31;
	v14 =	vld [tilespmem:s31+$0x10A0]  }
0xe2: {  	s1 =	sor.u32 $0x90, s31;
	v5 =	vld [tilespmem:s0+$0x0]  }
0xe3: {  	v10 =	vmov s31;
	v9 =	vld [tilespmem:s1+$0x0];
	s1 =	sor.u32 $0xA0, s31  }
0xe4: {  	v10 =	vshll.u32 v10, $0x7;
	v40 =	vld [tilespmem:s1+$0x0];
	s1 =	sor.u32 $0x10, s31;
	v2 =	vtrunc.f32 v2  }
0xe5: {  	v47 =	vld [tilespmem:s31+$0x10B0];
	v42 =	vmov s1;
	v3 =	vtrunc.f32 v3;
	v2 =	vcvt.f32.s32 v2  }
0xe6: {  	v10 =	vor.u32 v1, v10;
	v44 =	vshll.u32 v42, $0x7;
	v3 =	vcvt.f32.s32 v3  }
0xe7: {  	s1 =	sor.u32 $0xB0, s31;
	vm1 =	vlt.f32 v7, $5.120000000e+02;
	v11 =	vtrunc.f32 v11;
	v4 =	vshll.u32 v2, $0x7  }
0xe8: {  	v15 =	vld [tilespmem:s1+$0x0];
	s1 =	sor.u32 $0x20, s31;
	v13 =	vtrunc.f32 v13;
	vm2 =	vlt.f32 v12, $5.120000000e+02;
	v8 =	vshll.u32 v3, $0x7  }
0xe9: {  	vm3 =	vlt.f32 v14, $5.120000000e+02;
	v46 =	vmov s1;
	v5 =	vtrunc.f32 v5  }
0xea: {  	v6 =	vld [tilespmem:s31+$0x1480];
	s1 =	sor.u32 $0x30, s31;
	vm4 =	vlt.f32 v47, $5.120000000e+02;
	v9 =	vtrunc.f32 v9;
	v41 =	vcvt.f32.s32 v11  }
0xeb: {  	v38 =	vld [tilespmem:s31+$0x1490];
	v13 =	vcvt.f32.s32 v13;
	v21 =	vmov s1;
	v5 =	vcvt.f32.s32 v5  }
0xec: {  	v9 =	vcvt.f32.s32 v9;
	v7 =	vtrunc.f32 v40;
	v21 =	vshll.u32 v21, $0x7;
	v4 =	vld.idx.msk [tilespmem:v4+s24+$0x0], $0xffff  }
0xed: {  	v39 =	vand.u32 $0xFFFFFF80, v2;
	v2 =	vand.u32 $0x7F, v2;
	v17 =	vshll.u32 v13, $0x7;
	v8 =	vld.idx.msk [tilespmem:v8+s24+$0x0], $0xffff  }
0xee: {  	v43 =	vshll.u32 v41, $0x7;
	v7 =	vcvt.f32.s32 v7;
	v15 =	vtrunc.f32 v15  }
0xef: {  	v21 =	vor.u32 v1, v21;
	v36 =	vand.u32 $0xFFFFFF80, v5;
	v15 =	vcvt.f32.s32 v15  }
0xf0: {  	v20 =	vld [tilespmem:s31+$0x14A0];
	v5 =	vand.u32 $0x7F, v5;
	v45 =	vand.u32 $0xFFFFFF80, v9;
	v9 =	vand.u32 $0x7F, v9  }
0xf1: {  	v48 =	vld [tilespmem:s31+$0x14B0];
	v22 =	vand.u32 $0xFFFFFF80, v15;
	v4 =	vadd.f32 v6, v4;
	v6 =	vadd.s32 v10, v36  }
0xf2: {  	v17 =	vld.idx.msk [tilespmem:v17+s24+$0x0], $0xffff;
	v37 =	vor.u32 v5, v6;
	v5 =	vadd.f32 v38, v8;
	v8 =	vor.u32 v1, v44  }
0xf3: {  	v51 =	vld [tilespmem:s31+$0x8B0];
	v15 =	vand.u32 $0x7F, v15;
	v22 =	vadd.s32 v21, v22;
	v11 =	vadd.s32 v8, v45  }
0xf4: {  	v12 =	vld.idx.msk [tilespmem:v43+s24+$0x0], $0xffff;
	v15 =	vor.u32 v15, v22;
	v9 =	vor.u32 v9, v11;
	v11 =	vshll.u32 v46, $0x7  }
0xf5: {  	v16 =	vld [tilespmem:s31+$0x880];
	v50 =	vand.u32 $0xFFFFFF80, v3;
	v19 =	vand.u32 $0xFFFFFF80, v7;
	v11 =	vor.u32 v1, v11  }
0xf6: {  	v18 =	vld [tilespmem:s31+$0x890];
	v3 =	vand.u32 $0x7F, v3;
	v7 =	vand.u32 $0x7F, v7;
	v19 =	vadd.s32 v11, v19  }
0xf7: {  	v49 =	vld [tilespmem:s31+$0x8A0];
	v59 =	vand.u32 $0xFFFFFF80, v13;
	v55 =	vadd.f32 v48, v17;
	v7 =	vor.u32 v7, v19  }
0xf8: {  	v54 =	vand.u32 $0xFFFFFF80, v41;
	v62 =	vand.u32 $0x7F, v13;
	v60 =	vadd.s32 v21, v59  }
0xf9: {  	v53 =	vadd.f32 v20, v12;
	v6 =	vadd.s32 v10, v39;
	[tilespmem:v15+s28+$0x0] =	vst.idx.msk vm4, v51;
	vm15 =	vlt.f32 v55, $5.120000000e+02  }
0xfa: {  	vm0 =	vlt.f32 v4, $5.120000000e+02;
	v2 =	vor.u32 v2, v6;
	v6 =	vor.u32 v62, v60;
	v63 =	vld [tilespmem:s31+$0xCB0];
	[tilespmem:v37+s28+$0x0] =	vst.idx.msk vm1, v16  }
0xfb: {  	v57 =	vand.u32 $0x7F, v41;
	v52 =	vadd.s32 v8, v50;
	vm5 =	vlt.f32 v5, $5.120000000e+02;
	v56 =	vld [tilespmem:s31+$0xC80];
	[tilespmem:v9+s28+$0x0] =	vst.idx.msk vm2, v18  }
0xfc: {  	vm14 =	vlt.f32 v53, $5.120000000e+02;
	v3 =	vor.u32 v3, v52;
	v5 =	vadd.s32 v11, v54;
	v58 =	vld [tilespmem:s31+$0xC90];
	[tilespmem:v7+s28+$0x0] =	vst.idx.msk vm3, v49  }
0xfd: {  	p1 =	por p0, p0;
	v5 =	vor.u32 v57, v5;
	v61 =	vld [tilespmem:s31+$0xCA0]  }
.Ltmp3:
0xfe: {  	_ = 	snop;
	(pc) =	sbr.rel @p1 .LBB2_8-.Ltmp3, $4  }
0xff: {  	[tilespmem:v6+s28+$0x0] =	vst.idx.msk vm15, v63  }
0x100: {  	[tilespmem:v2+s28+$0x0] =	vst.idx.msk vm0, v56  }
0x101: {  	[tilespmem:v3+s28+$0x0] =	vst.idx.msk vm5, v58  }
0x102: {  	p0 =	por $0x0, $0x0;
	s31 =	simm.s32 $0x40;
	[tilespmem:v5+s28+$0x0] =	vst.idx.msk vm14, v61  }
0x103: {  	[hbm4b:s11+s2] =	stream.linear.scatter [tilespmem:s28], [sflag:$0x2], $0x4000, $0x38;
	[tilespmem:$0xB800] =	vst v63  }
0x104: {  	_ =	swait.ge [sflag:s29], $0x4000  }
0x105: {  	[sflag:s29] =	ssyncset.done $0x0  }
0x106: {  	s0 =	simm.s32 $0x3A00;
	[sflag:s29] =	ssyncadd.s32 $0xFFFFC000  }
0x107: {  	[tilespmem:s0+$0xFFFFFE00] =	vst v0  }
0x108: {  	[tilespmem:s0+$0x1B0] =	vst v0  }
0x109: {  	[tilespmem:s0+$0x1A0] =	vst v0  }
0x10a: {  	[tilespmem:s0+$0x190] =	vst v0  }
0x10b: {  	[tilespmem:s0+$0x180] =	vst v0  }
0x10c: {  	[tilespmem:s0+$0x130] =	vst v0  }
0x10d: {  	[tilespmem:s0+$0x120] =	vst v0  }
0x10e: {  	[tilespmem:s0+$0x110] =	vst v0  }
0x10f: {  	[tilespmem:s0+$0x100] =	vst v0  }
0x110: {  	[tilespmem:s0+$0xB0] =	vst v0  }
0x111: {  	[tilespmem:s0+$0xA0] =	vst v0  }
0x112: {  	[tilespmem:s0+$0x90] =	vst v0  }
0x113: {  	[tilespmem:s0+$0x80] =	vst v0  }
0x114: {  	[tilespmem:s0+$0x30] =	vst v0  }
0x115: {  	[tilespmem:s0+$0x20] =	vst v0  }
0x116: {  	[tilespmem:s0+$0x10] =	vst v0  }
0x117: {  	[tilespmem:s0+$0x0] =	vst v0  }
0x118: {  	[tilespmem:s0+$0xFFFFFFB0] =	vst v0  }
0x119: {  	[tilespmem:s0+$0xFFFFFFA0] =	vst v0  }
0x11a: {  	[tilespmem:s0+$0xFFFFFF90] =	vst v0  }
0x11b: {  	[tilespmem:s0+$0xFFFFFF80] =	vst v0  }
0x11c: {  	[tilespmem:s0+$0xFFFFFF30] =	vst v0  }
0x11d: {  	[tilespmem:s0+$0xFFFFFF20] =	vst v0  }
0x11e: {  	[tilespmem:s0+$0xFFFFFF10] =	vst v0  }
0x11f: {  	[tilespmem:s0+$0xFFFFFF00] =	vst v0  }
0x120: {  	[tilespmem:s0+$0xFFFFFEB0] =	vst v0  }
0x121: {  	[tilespmem:s0+$0xFFFFFEA0] =	vst v0  }
0x122: {  	[tilespmem:s0+$0xFFFFFE90] =	vst v0  }
0x123: {  	[tilespmem:s0+$0xFFFFFE80] =	vst v0  }
0x124: {  	[tilespmem:s0+$0xFFFFFE30] =	vst v0  }
0x125: {  	s1 =	simm.s32 $0x0;
	[tilespmem:s0+$0xFFFFFE20] =	vst v0  }
.LBB2_10:
0x126: {  	s1 =	sadd.s32 $0x8, s1;
	[tilespmem:s0+$0xFFFFFE10] =	vst v0;
	s0 =	sadd.s32 $0x400, s0  }
0x127: {  	[tilespmem:s0+$0xFFFFFE00] =	vst v0;
	p1 =	slt.u32 s1, $0x78  }
0x128: {  	[tilespmem:s0+$0x1B0] =	vst v0  }
0x129: {  	[tilespmem:s0+$0x1A0] =	vst v0  }
0x12a: {  	[tilespmem:s0+$0x190] =	vst v0  }
0x12b: {  	[tilespmem:s0+$0x180] =	vst v0  }
0x12c: {  	[tilespmem:s0+$0x130] =	vst v0  }
0x12d: {  	[tilespmem:s0+$0x120] =	vst v0  }
0x12e: {  	[tilespmem:s0+$0x110] =	vst v0  }
0x12f: {  	[tilespmem:s0+$0x100] =	vst v0  }
0x130: {  	[tilespmem:s0+$0xB0] =	vst v0  }
0x131: {  	[tilespmem:s0+$0xA0] =	vst v0  }
0x132: {  	[tilespmem:s0+$0x90] =	vst v0  }
0x133: {  	[tilespmem:s0+$0x80] =	vst v0  }
0x134: {  	[tilespmem:s0+$0x30] =	vst v0  }
0x135: {  	[tilespmem:s0+$0x20] =	vst v0  }
0x136: {  	[tilespmem:s0+$0x10] =	vst v0  }
0x137: {  	[tilespmem:s0+$0x0] =	vst v0  }
0x138: {  	[tilespmem:s0+$0xFFFFFFB0] =	vst v0  }
0x139: {  	[tilespmem:s0+$0xFFFFFFA0] =	vst v0  }
0x13a: {  	[tilespmem:s0+$0xFFFFFF90] =	vst v0  }
0x13b: {  	[tilespmem:s0+$0xFFFFFF80] =	vst v0  }
0x13c: {  	[tilespmem:s0+$0xFFFFFF30] =	vst v0  }
0x13d: {  	[tilespmem:s0+$0xFFFFFF20] =	vst v0  }
0x13e: {  	[tilespmem:s0+$0xFFFFFF10] =	vst v0  }
0x13f: {  	[tilespmem:s0+$0xFFFFFF00] =	vst v0  }
0x140: {  	[tilespmem:s0+$0xFFFFFEB0] =	vst v0  }
.Ltmp4:
0x141: {  	[tilespmem:s0+$0xFFFFFEA0] =	vst v0;
	(pc) =	sbr.rel @p1 .LBB2_10-.Ltmp4, $4  }
0x142: {  	[tilespmem:s0+$0xFFFFFE90] =	vst v0  }
0x143: {  	[tilespmem:s0+$0xFFFFFE80] =	vst v0  }
0x144: {  	[tilespmem:s0+$0xFFFFFE30] =	vst v0  }
0x145: {  	p0 =	por $0x1, $0x1;
	[tilespmem:s0+$0xFFFFFE20] =	vst v0  }
0x146: {  	[tilespmem:s0+$0xFFFFFE10] =	vst v0;
	s31 =	simm.s32 $0x0  }
.LBB2_12:
0x147: {  	v2 =	vld [tilespmem:s31+$0x500]  }
0x148: {  	v3 =	vld [tilespmem:s31+$0x510]  }
0x149: {  	v7 =	vld [tilespmem:s31+$0x1100]  }
0x14a: {  	v11 =	vld [tilespmem:s31+$0x520]  }
0x14b: {  	v12 =	vld [tilespmem:s31+$0x1110]  }
0x14c: {  	v13 =	vld [tilespmem:s31+$0x530]  }
0x14d: {  	s0 =	sor.u32 $0x100, s31;
	v14 =	vld [tilespmem:s31+$0x1120]  }
0x14e: {  	s1 =	sor.u32 $0x110, s31;
	v5 =	vld [tilespmem:s0+$0x0]  }
0x14f: {  	v10 =	vmov s31;
	v9 =	vld [tilespmem:s1+$0x0];
	s1 =	sor.u32 $0x120, s31  }
0x150: {  	v10 =	vshll.u32 v10, $0x7;
	v40 =	vld [tilespmem:s1+$0x0];
	s1 =	sor.u32 $0x10, s31;
	v2 =	vtrunc.f32 v2  }
0x151: {  	v47 =	vld [tilespmem:s31+$0x1130];
	v42 =	vmov s1;
	v3 =	vtrunc.f32 v3;
	v2 =	vcvt.f32.s32 v2  }
0x152: {  	v10 =	vor.u32 v1, v10;
	v44 =	vshll.u32 v42, $0x7;
	v3 =	vcvt.f32.s32 v3  }
0x153: {  	s1 =	sor.u32 $0x130, s31;
	vm1 =	vlt.f32 v7, $5.120000000e+02;
	v11 =	vtrunc.f32 v11;
	v4 =	vshll.u32 v2, $0x7  }
0x154: {  	v15 =	vld [tilespmem:s1+$0x0];
	s1 =	sor.u32 $0x20, s31;
	v13 =	vtrunc.f32 v13;
	vm2 =	vlt.f32 v12, $5.120000000e+02;
	v8 =	vshll.u32 v3, $0x7  }
0x155: {  	vm3 =	vlt.f32 v14, $5.120000000e+02;
	v46 =	vmov s1;
	v5 =	vtrunc.f32 v5  }
0x156: {  	v6 =	vld [tilespmem:s31+$0x1500];
	s1 =	sor.u32 $0x30, s31;
	vm4 =	vlt.f32 v47, $5.120000000e+02;
	v9 =	vtrunc.f32 v9;
	v41 =	vcvt.f32.s32 v11  }
0x157: {  	v38 =	vld [tilespmem:s31+$0x1510];
	v13 =	vcvt.f32.s32 v13;
	v21 =	vmov s1;
	v5 =	vcvt.f32.s32 v5  }
0x158: {  	v9 =	vcvt.f32.s32 v9;
	v7 =	vtrunc.f32 v40;
	v21 =	vshll.u32 v21, $0x7;
	v4 =	vld.idx.msk [tilespmem:v4+s24+$0x0], $0xffff  }
0x159: {  	v39 =	vand.u32 $0xFFFFFF80, v2;
	v2 =	vand.u32 $0x7F, v2;
	v17 =	vshll.u32 v13, $0x7;
	v8 =	vld.idx.msk [tilespmem:v8+s24+$0x0], $0xffff  }
0x15a: {  	v43 =	vshll.u32 v41, $0x7;
	v7 =	vcvt.f32.s32 v7;
	v15 =	vtrunc.f32 v15  }
0x15b: {  	v21 =	vor.u32 v1, v21;
	v36 =	vand.u32 $0xFFFFFF80, v5;
	v15 =	vcvt.f32.s32 v15  }
0x15c: {  	v20 =	vld [tilespmem:s31+$0x1520];
	v5 =	vand.u32 $0x7F, v5;
	v45 =	vand.u32 $0xFFFFFF80, v9;
	v9 =	vand.u32 $0x7F, v9  }
0x15d: {  	v48 =	vld [tilespmem:s31+$0x1530];
	v22 =	vand.u32 $0xFFFFFF80, v15;
	v4 =	vadd.f32 v6, v4;
	v6 =	vadd.s32 v10, v36  }
0x15e: {  	v17 =	vld.idx.msk [tilespmem:v17+s24+$0x0], $0xffff;
	v37 =	vor.u32 v5, v6;
	v5 =	vadd.f32 v38, v8;
	v8 =	vor.u32 v1, v44  }
0x15f: {  	v51 =	vld [tilespmem:s31+$0x930];
	v15 =	vand.u32 $0x7F, v15;
	v22 =	vadd.s32 v21, v22;
	v11 =	vadd.s32 v8, v45  }
0x160: {  	v12 =	vld.idx.msk [tilespmem:v43+s24+$0x0], $0xffff;
	v15 =	vor.u32 v15, v22;
	v9 =	vor.u32 v9, v11;
	v11 =	vshll.u32 v46, $0x7  }
0x161: {  	v16 =	vld [tilespmem:s31+$0x900];
	v50 =	vand.u32 $0xFFFFFF80, v3;
	v19 =	vand.u32 $0xFFFFFF80, v7;
	v11 =	vor.u32 v1, v11  }
0x162: {  	v18 =	vld [tilespmem:s31+$0x910];
	v3 =	vand.u32 $0x7F, v3;
	v7 =	vand.u32 $0x7F, v7;
	v19 =	vadd.s32 v11, v19  }
0x163: {  	v49 =	vld [tilespmem:s31+$0x920];
	v59 =	vand.u32 $0xFFFFFF80, v13;
	v55 =	vadd.f32 v48, v17;
	v7 =	vor.u32 v7, v19  }
0x164: {  	v54 =	vand.u32 $0xFFFFFF80, v41;
	v62 =	vand.u32 $0x7F, v13;
	v60 =	vadd.s32 v21, v59  }
0x165: {  	v53 =	vadd.f32 v20, v12;
	v6 =	vadd.s32 v10, v39;
	[tilespmem:v15+s26+$0x0] =	vst.idx.msk vm4, v51;
	vm15 =	vlt.f32 v55, $5.120000000e+02  }
0x166: {  	vm0 =	vlt.f32 v4, $5.120000000e+02;
	v2 =	vor.u32 v2, v6;
	v6 =	vor.u32 v62, v60;
	v63 =	vld [tilespmem:s31+$0xD30];
	[tilespmem:v37+s26+$0x0] =	vst.idx.msk vm1, v16  }
0x167: {  	v57 =	vand.u32 $0x7F, v41;
	v52 =	vadd.s32 v8, v50;
	vm5 =	vlt.f32 v5, $5.120000000e+02;
	v56 =	vld [tilespmem:s31+$0xD00];
	[tilespmem:v9+s26+$0x0] =	vst.idx.msk vm2, v18  }
0x168: {  	vm14 =	vlt.f32 v53, $5.120000000e+02;
	v3 =	vor.u32 v3, v52;
	v5 =	vadd.s32 v11, v54;
	v58 =	vld [tilespmem:s31+$0xD10];
	[tilespmem:v7+s26+$0x0] =	vst.idx.msk vm3, v49  }
0x169: {  	p1 =	por p0, p0;
	v5 =	vor.u32 v57, v5;
	v61 =	vld [tilespmem:s31+$0xD20]  }
.Ltmp5:
0x16a: {  	_ = 	snop;
	(pc) =	sbr.rel @p1 .LBB2_12-.Ltmp5, $4  }
0x16b: {  	[tilespmem:v6+s26+$0x0] =	vst.idx.msk vm15, v63  }
0x16c: {  	[tilespmem:v2+s26+$0x0] =	vst.idx.msk vm0, v56  }
0x16d: {  	[tilespmem:v3+s26+$0x0] =	vst.idx.msk vm5, v58  }
0x16e: {  	p0 =	por $0x0, $0x0;
	s31 =	simm.s32 $0x40;
	[tilespmem:v5+s26+$0x0] =	vst.idx.msk vm14, v61  }
0x16f: {  	[hbm4b:s12+s2] =	stream.linear.scatter [tilespmem:s26], [sflag:$0x2], $0x4000, $0x38;
	[tilespmem:$0xB800] =	vst v63  }
0x170: {  	_ =	swait.ge [sflag:s29], $0x4000  }
0x171: {  	[sflag:s29] =	ssyncset.done $0x0  }
0x172: {  	s0 =	simm.s32 $0x7A00;
	[sflag:s29] =	ssyncadd.s32 $0xFFFFC000  }
0x173: {  	[tilespmem:s0+$0xFFFFFE00] =	vst v0  }
0x174: {  	[tilespmem:s0+$0x1B0] =	vst v0  }
0x175: {  	[tilespmem:s0+$0x1A0] =	vst v0  }
0x176: {  	[tilespmem:s0+$0x190] =	vst v0  }
0x177: {  	[tilespmem:s0+$0x180] =	vst v0  }
0x178: {  	[tilespmem:s0+$0x130] =	vst v0  }
0x179: {  	[tilespmem:s0+$0x120] =	vst v0  }
0x17a: {  	[tilespmem:s0+$0x110] =	vst v0  }
0x17b: {  	[tilespmem:s0+$0x100] =	vst v0  }
0x17c: {  	[tilespmem:s0+$0xB0] =	vst v0  }
0x17d: {  	[tilespmem:s0+$0xA0] =	vst v0  }
0x17e: {  	[tilespmem:s0+$0x90] =	vst v0  }
0x17f: {  	[tilespmem:s0+$0x80] =	vst v0  }
0x180: {  	[tilespmem:s0+$0x30] =	vst v0  }
0x181: {  	[tilespmem:s0+$0x20] =	vst v0  }
0x182: {  	[tilespmem:s0+$0x10] =	vst v0  }
0x183: {  	[tilespmem:s0+$0x0] =	vst v0  }
0x184: {  	[tilespmem:s0+$0xFFFFFFB0] =	vst v0  }
0x185: {  	[tilespmem:s0+$0xFFFFFFA0] =	vst v0  }
0x186: {  	[tilespmem:s0+$0xFFFFFF90] =	vst v0  }
0x187: {  	[tilespmem:s0+$0xFFFFFF80] =	vst v0  }
0x188: {  	[tilespmem:s0+$0xFFFFFF30] =	vst v0  }
0x189: {  	[tilespmem:s0+$0xFFFFFF20] =	vst v0  }
0x18a: {  	[tilespmem:s0+$0xFFFFFF10] =	vst v0  }
0x18b: {  	[tilespmem:s0+$0xFFFFFF00] =	vst v0  }
0x18c: {  	[tilespmem:s0+$0xFFFFFEB0] =	vst v0  }
0x18d: {  	[tilespmem:s0+$0xFFFFFEA0] =	vst v0  }
0x18e: {  	[tilespmem:s0+$0xFFFFFE90] =	vst v0  }
0x18f: {  	[tilespmem:s0+$0xFFFFFE80] =	vst v0  }
0x190: {  	[tilespmem:s0+$0xFFFFFE30] =	vst v0  }
0x191: {  	s1 =	simm.s32 $0x0;
	[tilespmem:s0+$0xFFFFFE20] =	vst v0  }
.LBB2_14:
0x192: {  	s1 =	sadd.s32 $0x8, s1;
	[tilespmem:s0+$0xFFFFFE10] =	vst v0;
	s0 =	sadd.s32 $0x400, s0  }
0x193: {  	[tilespmem:s0+$0xFFFFFE00] =	vst v0;
	p1 =	slt.u32 s1, $0x78  }
0x194: {  	[tilespmem:s0+$0x1B0] =	vst v0  }
0x195: {  	[tilespmem:s0+$0x1A0] =	vst v0  }
0x196: {  	[tilespmem:s0+$0x190] =	vst v0  }
0x197: {  	[tilespmem:s0+$0x180] =	vst v0  }
0x198: {  	[tilespmem:s0+$0x130] =	vst v0  }
0x199: {  	[tilespmem:s0+$0x120] =	vst v0  }
0x19a: {  	[tilespmem:s0+$0x110] =	vst v0  }
0x19b: {  	[tilespmem:s0+$0x100] =	vst v0  }
0x19c: {  	[tilespmem:s0+$0xB0] =	vst v0  }
0x19d: {  	[tilespmem:s0+$0xA0] =	vst v0  }
0x19e: {  	[tilespmem:s0+$0x90] =	vst v0  }
0x19f: {  	[tilespmem:s0+$0x80] =	vst v0  }
0x1a0: {  	[tilespmem:s0+$0x30] =	vst v0  }
0x1a1: {  	[tilespmem:s0+$0x20] =	vst v0  }
0x1a2: {  	[tilespmem:s0+$0x10] =	vst v0  }
0x1a3: {  	[tilespmem:s0+$0x0] =	vst v0  }
0x1a4: {  	[tilespmem:s0+$0xFFFFFFB0] =	vst v0  }
0x1a5: {  	[tilespmem:s0+$0xFFFFFFA0] =	vst v0  }
0x1a6: {  	[tilespmem:s0+$0xFFFFFF90] =	vst v0  }
0x1a7: {  	[tilespmem:s0+$0xFFFFFF80] =	vst v0  }
0x1a8: {  	[tilespmem:s0+$0xFFFFFF30] =	vst v0  }
0x1a9: {  	[tilespmem:s0+$0xFFFFFF20] =	vst v0  }
0x1aa: {  	[tilespmem:s0+$0xFFFFFF10] =	vst v0  }
0x1ab: {  	[tilespmem:s0+$0xFFFFFF00] =	vst v0  }
0x1ac: {  	[tilespmem:s0+$0xFFFFFEB0] =	vst v0  }
.Ltmp6:
0x1ad: {  	[tilespmem:s0+$0xFFFFFEA0] =	vst v0;
	(pc) =	sbr.rel @p1 .LBB2_14-.Ltmp6, $4  }
0x1ae: {  	[tilespmem:s0+$0xFFFFFE90] =	vst v0  }
0x1af: {  	[tilespmem:s0+$0xFFFFFE80] =	vst v0  }
0x1b0: {  	[tilespmem:s0+$0xFFFFFE30] =	vst v0  }
0x1b1: {  	p0 =	por $0x1, $0x1;
	[tilespmem:s0+$0xFFFFFE20] =	vst v0  }
0x1b2: {  	[tilespmem:s0+$0xFFFFFE10] =	vst v0;
	s31 =	simm.s32 $0x0  }
.LBB2_16:
0x1b3: {  	v2 =	vld [tilespmem:s31+$0x580]  }
0x1b4: {  	v3 =	vld [tilespmem:s31+$0x590]  }
0x1b5: {  	v7 =	vld [tilespmem:s31+$0x1180]  }
0x1b6: {  	v11 =	vld [tilespmem:s31+$0x5A0]  }
0x1b7: {  	v12 =	vld [tilespmem:s31+$0x1190]  }
0x1b8: {  	v13 =	vld [tilespmem:s31+$0x5B0]  }
0x1b9: {  	s0 =	sor.u32 $0x180, s31;
	v14 =	vld [tilespmem:s31+$0x11A0]  }
0x1ba: {  	s1 =	sor.u32 $0x190, s31;
	v5 =	vld [tilespmem:s0+$0x0]  }
0x1bb: {  	v10 =	vmov s31;
	v9 =	vld [tilespmem:s1+$0x0];
	s1 =	sor.u32 $0x1A0, s31  }
0x1bc: {  	v10 =	vshll.u32 v10, $0x7;
	v40 =	vld [tilespmem:s1+$0x0];
	s1 =	sor.u32 $0x10, s31;
	v2 =	vtrunc.f32 v2  }
0x1bd: {  	v47 =	vld [tilespmem:s31+$0x11B0];
	v42 =	vmov s1;
	v3 =	vtrunc.f32 v3;
	v2 =	vcvt.f32.s32 v2  }
0x1be: {  	v10 =	vor.u32 v1, v10;
	v44 =	vshll.u32 v42, $0x7;
	v3 =	vcvt.f32.s32 v3  }
0x1bf: {  	s1 =	sor.u32 $0x1B0, s31;
	vm1 =	vlt.f32 v7, $5.120000000e+02;
	v11 =	vtrunc.f32 v11;
	v4 =	vshll.u32 v2, $0x7  }
0x1c0: {  	v15 =	vld [tilespmem:s1+$0x0];
	s1 =	sor.u32 $0x20, s31;
	v13 =	vtrunc.f32 v13;
	vm2 =	vlt.f32 v12, $5.120000000e+02;
	v8 =	vshll.u32 v3, $0x7  }
0x1c1: {  	vm3 =	vlt.f32 v14, $5.120000000e+02;
	v46 =	vmov s1;
	v5 =	vtrunc.f32 v5  }
0x1c2: {  	v6 =	vld [tilespmem:s31+$0x1580];
	s1 =	sor.u32 $0x30, s31;
	vm4 =	vlt.f32 v47, $5.120000000e+02;
	v9 =	vtrunc.f32 v9;
	v41 =	vcvt.f32.s32 v11  }
0x1c3: {  	v38 =	vld [tilespmem:s31+$0x1590];
	v13 =	vcvt.f32.s32 v13;
	v21 =	vmov s1;
	v5 =	vcvt.f32.s32 v5  }
0x1c4: {  	v9 =	vcvt.f32.s32 v9;
	v7 =	vtrunc.f32 v40;
	v21 =	vshll.u32 v21, $0x7;
	v4 =	vld.idx.msk [tilespmem:v4+s24+$0x0], $0xffff  }
0x1c5: {  	v39 =	vand.u32 $0xFFFFFF80, v2;
	v2 =	vand.u32 $0x7F, v2;
	v17 =	vshll.u32 v13, $0x7;
	v8 =	vld.idx.msk [tilespmem:v8+s24+$0x0], $0xffff  }
0x1c6: {  	v43 =	vshll.u32 v41, $0x7;
	v7 =	vcvt.f32.s32 v7;
	v15 =	vtrunc.f32 v15  }
0x1c7: {  	v21 =	vor.u32 v1, v21;
	v36 =	vand.u32 $0xFFFFFF80, v5;
	v15 =	vcvt.f32.s32 v15  }
0x1c8: {  	v20 =	vld [tilespmem:s31+$0x15A0];
	v5 =	vand.u32 $0x7F, v5;
	v45 =	vand.u32 $0xFFFFFF80, v9;
	v9 =	vand.u32 $0x7F, v9  }
0x1c9: {  	v48 =	vld [tilespmem:s31+$0x15B0];
	v22 =	vand.u32 $0xFFFFFF80, v15;
	v4 =	vadd.f32 v6, v4;
	v6 =	vadd.s32 v10, v36  }
0x1ca: {  	v17 =	vld.idx.msk [tilespmem:v17+s24+$0x0], $0xffff;
	v37 =	vor.u32 v5, v6;
	v5 =	vadd.f32 v38, v8;
	v8 =	vor.u32 v1, v44  }
0x1cb: {  	v51 =	vld [tilespmem:s31+$0x9B0];
	v15 =	vand.u32 $0x7F, v15;
	v22 =	vadd.s32 v21, v22;
	v11 =	vadd.s32 v8, v45  }
0x1cc: {  	v12 =	vld.idx.msk [tilespmem:v43+s24+$0x0], $0xffff;
	v15 =	vor.u32 v15, v22;
	v9 =	vor.u32 v9, v11;
	v11 =	vshll.u32 v46, $0x7  }
0x1cd: {  	v16 =	vld [tilespmem:s31+$0x980];
	v50 =	vand.u32 $0xFFFFFF80, v3;
	v19 =	vand.u32 $0xFFFFFF80, v7;
	v11 =	vor.u32 v1, v11  }
0x1ce: {  	v18 =	vld [tilespmem:s31+$0x990];
	v3 =	vand.u32 $0x7F, v3;
	v7 =	vand.u32 $0x7F, v7;
	v19 =	vadd.s32 v11, v19  }
0x1cf: {  	v49 =	vld [tilespmem:s31+$0x9A0];
	v59 =	vand.u32 $0xFFFFFF80, v13;
	v55 =	vadd.f32 v48, v17;
	v7 =	vor.u32 v7, v19  }
0x1d0: {  	v54 =	vand.u32 $0xFFFFFF80, v41;
	v62 =	vand.u32 $0x7F, v13;
	v60 =	vadd.s32 v21, v59  }
0x1d1: {  	v53 =	vadd.f32 v20, v12;
	v6 =	vadd.s32 v10, v39;
	[tilespmem:v15+s28+$0x0] =	vst.idx.msk vm4, v51;
	vm15 =	vlt.f32 v55, $5.120000000e+02  }
0x1d2: {  	vm0 =	vlt.f32 v4, $5.120000000e+02;
	v2 =	vor.u32 v2, v6;
	v6 =	vor.u32 v62, v60;
	v63 =	vld [tilespmem:s31+$0xDB0];
	[tilespmem:v37+s28+$0x0] =	vst.idx.msk vm1, v16  }
0x1d3: {  	v57 =	vand.u32 $0x7F, v41;
	v52 =	vadd.s32 v8, v50;
	vm5 =	vlt.f32 v5, $5.120000000e+02;
	v56 =	vld [tilespmem:s31+$0xD80];
	[tilespmem:v9+s28+$0x0] =	vst.idx.msk vm2, v18  }
0x1d4: {  	vm14 =	vlt.f32 v53, $5.120000000e+02;
	v3 =	vor.u32 v3, v52;
	v5 =	vadd.s32 v11, v54;
	v58 =	vld [tilespmem:s31+$0xD90];
	[tilespmem:v7+s28+$0x0] =	vst.idx.msk vm3, v49  }
0x1d5: {  	p1 =	por p0, p0;
	v5 =	vor.u32 v57, v5;
	v61 =	vld [tilespmem:s31+$0xDA0]  }
.Ltmp7:
0x1d6: {  	_ = 	snop;
	(pc) =	sbr.rel @p1 .LBB2_16-.Ltmp7, $4  }
0x1d7: {  	[tilespmem:v6+s28+$0x0] =	vst.idx.msk vm15, v63  }
0x1d8: {  	[tilespmem:v2+s28+$0x0] =	vst.idx.msk vm0, v56  }
0x1d9: {  	[tilespmem:v3+s28+$0x0] =	vst.idx.msk vm5, v58  }
0x1da: {  	p0 =	por $0x0, $0x0;
	s31 =	simm.s32 $0x40;
	[tilespmem:v5+s28+$0x0] =	vst.idx.msk vm14, v61  }
0x1db: {  	[hbm4b:s13+s2] =	stream.linear.scatter [tilespmem:s28], [sflag:$0x2], $0x4000, $0x38;
	[tilespmem:$0xB800] =	vst v63  }
0x1dc: {  	_ =	swait.ge [sflag:s29], $0x4000  }
0x1dd: {  	[sflag:s29] =	ssyncset.done $0x0  }
0x1de: {  	s0 =	simm.s32 $0x3A00;
	[sflag:s29] =	ssyncadd.s32 $0xFFFFC000  }
0x1df: {  	[tilespmem:s0+$0xFFFFFE00] =	vst v0  }
0x1e0: {  	[tilespmem:s0+$0x1B0] =	vst v0  }
0x1e1: {  	[tilespmem:s0+$0x1A0] =	vst v0  }
0x1e2: {  	[tilespmem:s0+$0x190] =	vst v0  }
0x1e3: {  	[tilespmem:s0+$0x180] =	vst v0  }
0x1e4: {  	[tilespmem:s0+$0x130] =	vst v0  }
0x1e5: {  	[tilespmem:s0+$0x120] =	vst v0  }
0x1e6: {  	[tilespmem:s0+$0x110] =	vst v0  }
0x1e7: {  	[tilespmem:s0+$0x100] =	vst v0  }
0x1e8: {  	[tilespmem:s0+$0xB0] =	vst v0  }
0x1e9: {  	[tilespmem:s0+$0xA0] =	vst v0  }
0x1ea: {  	[tilespmem:s0+$0x90] =	vst v0  }
0x1eb: {  	[tilespmem:s0+$0x80] =	vst v0  }
0x1ec: {  	[tilespmem:s0+$0x30] =	vst v0  }
0x1ed: {  	[tilespmem:s0+$0x20] =	vst v0  }
0x1ee: {  	[tilespmem:s0+$0x10] =	vst v0  }
0x1ef: {  	[tilespmem:s0+$0x0] =	vst v0  }
0x1f0: {  	[tilespmem:s0+$0xFFFFFFB0] =	vst v0  }
0x1f1: {  	[tilespmem:s0+$0xFFFFFFA0] =	vst v0  }
0x1f2: {  	[tilespmem:s0+$0xFFFFFF90] =	vst v0  }
0x1f3: {  	[tilespmem:s0+$0xFFFFFF80] =	vst v0  }
0x1f4: {  	[tilespmem:s0+$0xFFFFFF30] =	vst v0  }
0x1f5: {  	[tilespmem:s0+$0xFFFFFF20] =	vst v0  }
0x1f6: {  	[tilespmem:s0+$0xFFFFFF10] =	vst v0  }
0x1f7: {  	[tilespmem:s0+$0xFFFFFF00] =	vst v0  }
0x1f8: {  	[tilespmem:s0+$0xFFFFFEB0] =	vst v0  }
0x1f9: {  	[tilespmem:s0+$0xFFFFFEA0] =	vst v0  }
0x1fa: {  	[tilespmem:s0+$0xFFFFFE90] =	vst v0  }
0x1fb: {  	[tilespmem:s0+$0xFFFFFE80] =	vst v0  }
0x1fc: {  	[tilespmem:s0+$0xFFFFFE30] =	vst v0  }
0x1fd: {  	s1 =	simm.s32 $0x0;
	[tilespmem:s0+$0xFFFFFE20] =	vst v0  }
.LBB2_18:
0x1fe: {  	s1 =	sadd.s32 $0x8, s1;
	[tilespmem:s0+$0xFFFFFE10] =	vst v0;
	s0 =	sadd.s32 $0x400, s0  }
0x1ff: {  	[tilespmem:s0+$0xFFFFFE00] =	vst v0;
	p1 =	slt.u32 s1, $0x78  }
0x200: {  	[tilespmem:s0+$0x1B0] =	vst v0  }
0x201: {  	[tilespmem:s0+$0x1A0] =	vst v0  }
0x202: {  	[tilespmem:s0+$0x190] =	vst v0  }
0x203: {  	[tilespmem:s0+$0x180] =	vst v0  }
0x204: {  	[tilespmem:s0+$0x130] =	vst v0  }
0x205: {  	[tilespmem:s0+$0x120] =	vst v0  }
0x206: {  	[tilespmem:s0+$0x110] =	vst v0  }
0x207: {  	[tilespmem:s0+$0x100] =	vst v0  }
0x208: {  	[tilespmem:s0+$0xB0] =	vst v0  }
0x209: {  	[tilespmem:s0+$0xA0] =	vst v0  }
0x20a: {  	[tilespmem:s0+$0x90] =	vst v0  }
0x20b: {  	[tilespmem:s0+$0x80] =	vst v0  }
0x20c: {  	[tilespmem:s0+$0x30] =	vst v0  }
0x20d: {  	[tilespmem:s0+$0x20] =	vst v0  }
0x20e: {  	[tilespmem:s0+$0x10] =	vst v0  }
0x20f: {  	[tilespmem:s0+$0x0] =	vst v0  }
0x210: {  	[tilespmem:s0+$0xFFFFFFB0] =	vst v0  }
0x211: {  	[tilespmem:s0+$0xFFFFFFA0] =	vst v0  }
0x212: {  	[tilespmem:s0+$0xFFFFFF90] =	vst v0  }
0x213: {  	[tilespmem:s0+$0xFFFFFF80] =	vst v0  }
0x214: {  	[tilespmem:s0+$0xFFFFFF30] =	vst v0  }
0x215: {  	[tilespmem:s0+$0xFFFFFF20] =	vst v0  }
0x216: {  	[tilespmem:s0+$0xFFFFFF10] =	vst v0  }
0x217: {  	[tilespmem:s0+$0xFFFFFF00] =	vst v0  }
0x218: {  	[tilespmem:s0+$0xFFFFFEB0] =	vst v0  }
.Ltmp8:
0x219: {  	[tilespmem:s0+$0xFFFFFEA0] =	vst v0;
	(pc) =	sbr.rel @p1 .LBB2_18-.Ltmp8, $4  }
0x21a: {  	[tilespmem:s0+$0xFFFFFE90] =	vst v0  }
0x21b: {  	[tilespmem:s0+$0xFFFFFE80] =	vst v0  }
0x21c: {  	[tilespmem:s0+$0xFFFFFE30] =	vst v0  }
0x21d: {  	p0 =	por $0x1, $0x1;
	[tilespmem:s0+$0xFFFFFE20] =	vst v0  }
0x21e: {  	[tilespmem:s0+$0xFFFFFE10] =	vst v0;
	s31 =	simm.s32 $0x0  }
.LBB2_20:
0x21f: {  	v2 =	vld [tilespmem:s31+$0x600]  }
0x220: {  	v3 =	vld [tilespmem:s31+$0x610]  }
0x221: {  	v7 =	vld [tilespmem:s31+$0x1200]  }
0x222: {  	v11 =	vld [tilespmem:s31+$0x620]  }
0x223: {  	v12 =	vld [tilespmem:s31+$0x1210]  }
0x224: {  	v13 =	vld [tilespmem:s31+$0x630]  }
0x225: {  	s0 =	sor.u32 $0x200, s31;
	v14 =	vld [tilespmem:s31+$0x1220]  }
0x226: {  	s1 =	sor.u32 $0x210, s31;
	v5 =	vld [tilespmem:s0+$0x0]  }
0x227: {  	v10 =	vmov s31;
	v9 =	vld [tilespmem:s1+$0x0];
	s1 =	sor.u32 $0x220, s31  }
0x228: {  	v10 =	vshll.u32 v10, $0x7;
	v40 =	vld [tilespmem:s1+$0x0];
	s1 =	sor.u32 $0x10, s31;
	v2 =	vtrunc.f32 v2  }
0x229: {  	v47 =	vld [tilespmem:s31+$0x1230];
	v42 =	vmov s1;
	v3 =	vtrunc.f32 v3;
	v2 =	vcvt.f32.s32 v2  }
0x22a: {  	v10 =	vor.u32 v1, v10;
	v44 =	vshll.u32 v42, $0x7;
	v3 =	vcvt.f32.s32 v3  }
0x22b: {  	s1 =	sor.u32 $0x230, s31;
	vm1 =	vlt.f32 v7, $5.120000000e+02;
	v11 =	vtrunc.f32 v11;
	v4 =	vshll.u32 v2, $0x7  }
0x22c: {  	v15 =	vld [tilespmem:s1+$0x0];
	s1 =	sor.u32 $0x20, s31;
	v13 =	vtrunc.f32 v13;
	vm2 =	vlt.f32 v12, $5.120000000e+02;
	v8 =	vshll.u32 v3, $0x7  }
0x22d: {  	vm3 =	vlt.f32 v14, $5.120000000e+02;
	v46 =	vmov s1;
	v5 =	vtrunc.f32 v5  }
0x22e: {  	v6 =	vld [tilespmem:s31+$0x1600];
	s1 =	sor.u32 $0x30, s31;
	vm4 =	vlt.f32 v47, $5.120000000e+02;
	v9 =	vtrunc.f32 v9;
	v41 =	vcvt.f32.s32 v11  }
0x22f: {  	v38 =	vld [tilespmem:s31+$0x1610];
	v13 =	vcvt.f32.s32 v13;
	v21 =	vmov s1;
	v5 =	vcvt.f32.s32 v5  }
0x230: {  	v9 =	vcvt.f32.s32 v9;
	v7 =	vtrunc.f32 v40;
	v21 =	vshll.u32 v21, $0x7;
	v4 =	vld.idx.msk [tilespmem:v4+s24+$0x0], $0xffff  }
0x231: {  	v39 =	vand.u32 $0xFFFFFF80, v2;
	v2 =	vand.u32 $0x7F, v2;
	v17 =	vshll.u32 v13, $0x7;
	v8 =	vld.idx.msk [tilespmem:v8+s24+$0x0], $0xffff  }
0x232: {  	v43 =	vshll.u32 v41, $0x7;
	v7 =	vcvt.f32.s32 v7;
	v15 =	vtrunc.f32 v15  }
0x233: {  	v21 =	vor.u32 v1, v21;
	v36 =	vand.u32 $0xFFFFFF80, v5;
	v15 =	vcvt.f32.s32 v15  }
0x234: {  	v20 =	vld [tilespmem:s31+$0x1620];
	v5 =	vand.u32 $0x7F, v5;
	v45 =	vand.u32 $0xFFFFFF80, v9;
	v9 =	vand.u32 $0x7F, v9  }
0x235: {  	v48 =	vld [tilespmem:s31+$0x1630];
	v22 =	vand.u32 $0xFFFFFF80, v15;
	v4 =	vadd.f32 v6, v4;
	v6 =	vadd.s32 v10, v36  }
0x236: {  	v17 =	vld.idx.msk [tilespmem:v17+s24+$0x0], $0xffff;
	v37 =	vor.u32 v5, v6;
	v5 =	vadd.f32 v38, v8;
	v8 =	vor.u32 v1, v44  }
0x237: {  	v51 =	vld [tilespmem:s31+$0xA30];
	v15 =	vand.u32 $0x7F, v15;
	v22 =	vadd.s32 v21, v22;
	v11 =	vadd.s32 v8, v45  }
0x238: {  	v12 =	vld.idx.msk [tilespmem:v43+s24+$0x0], $0xffff;
	v15 =	vor.u32 v15, v22;
	v9 =	vor.u32 v9, v11;
	v11 =	vshll.u32 v46, $0x7  }
0x239: {  	v16 =	vld [tilespmem:s31+$0xA00];
	v50 =	vand.u32 $0xFFFFFF80, v3;
	v19 =	vand.u32 $0xFFFFFF80, v7;
	v11 =	vor.u32 v1, v11  }
0x23a: {  	v18 =	vld [tilespmem:s31+$0xA10];
	v3 =	vand.u32 $0x7F, v3;
	v7 =	vand.u32 $0x7F, v7;
	v19 =	vadd.s32 v11, v19  }
0x23b: {  	v49 =	vld [tilespmem:s31+$0xA20];
	v59 =	vand.u32 $0xFFFFFF80, v13;
	v55 =	vadd.f32 v48, v17;
	v7 =	vor.u32 v7, v19  }
0x23c: {  	v54 =	vand.u32 $0xFFFFFF80, v41;
	v62 =	vand.u32 $0x7F, v13;
	v60 =	vadd.s32 v21, v59  }
0x23d: {  	v53 =	vadd.f32 v20, v12;
	v6 =	vadd.s32 v10, v39;
	[tilespmem:v15+s26+$0x0] =	vst.idx.msk vm4, v51;
	vm15 =	vlt.f32 v55, $5.120000000e+02  }
0x23e: {  	vm0 =	vlt.f32 v4, $5.120000000e+02;
	v2 =	vor.u32 v2, v6;
	v6 =	vor.u32 v62, v60;
	v63 =	vld [tilespmem:s31+$0xE30];
	[tilespmem:v37+s26+$0x0] =	vst.idx.msk vm1, v16  }
0x23f: {  	v57 =	vand.u32 $0x7F, v41;
	v52 =	vadd.s32 v8, v50;
	vm5 =	vlt.f32 v5, $5.120000000e+02;
	v56 =	vld [tilespmem:s31+$0xE00];
	[tilespmem:v9+s26+$0x0] =	vst.idx.msk vm2, v18  }
0x240: {  	vm14 =	vlt.f32 v53, $5.120000000e+02;
	v3 =	vor.u32 v3, v52;
	v5 =	vadd.s32 v11, v54;
	v58 =	vld [tilespmem:s31+$0xE10];
	[tilespmem:v7+s26+$0x0] =	vst.idx.msk vm3, v49  }
0x241: {  	p1 =	por p0, p0;
	v5 =	vor.u32 v57, v5;
	v61 =	vld [tilespmem:s31+$0xE20]  }
.Ltmp9:
0x242: {  	_ = 	snop;
	(pc) =	sbr.rel @p1 .LBB2_20-.Ltmp9, $4  }
0x243: {  	[tilespmem:v6+s26+$0x0] =	vst.idx.msk vm15, v63  }
0x244: {  	[tilespmem:v2+s26+$0x0] =	vst.idx.msk vm0, v56  }
0x245: {  	[tilespmem:v3+s26+$0x0] =	vst.idx.msk vm5, v58  }
0x246: {  	p0 =	por $0x0, $0x0;
	s31 =	simm.s32 $0x40;
	[tilespmem:v5+s26+$0x0] =	vst.idx.msk vm14, v61  }
0x247: {  	[hbm4b:s14+s2] =	stream.linear.scatter [tilespmem:s26], [sflag:$0x2], $0x4000, $0x38;
	[tilespmem:$0xB800] =	vst v63  }
0x248: {  	_ =	swait.ge [sflag:s29], $0x4000  }
0x249: {  	[sflag:s29] =	ssyncset.done $0x0  }
0x24a: {  	s0 =	simm.s32 $0x7A00;
	[sflag:s29] =	ssyncadd.s32 $0xFFFFC000  }
0x24b: {  	[tilespmem:s0+$0xFFFFFE00] =	vst v0  }
0x24c: {  	[tilespmem:s0+$0x1B0] =	vst v0  }
0x24d: {  	[tilespmem:s0+$0x1A0] =	vst v0  }
0x24e: {  	[tilespmem:s0+$0x190] =	vst v0  }
0x24f: {  	[tilespmem:s0+$0x180] =	vst v0  }
0x250: {  	[tilespmem:s0+$0x130] =	vst v0  }
0x251: {  	[tilespmem:s0+$0x120] =	vst v0  }
0x252: {  	[tilespmem:s0+$0x110] =	vst v0  }
0x253: {  	[tilespmem:s0+$0x100] =	vst v0  }
0x254: {  	[tilespmem:s0+$0xB0] =	vst v0  }
0x255: {  	[tilespmem:s0+$0xA0] =	vst v0  }
0x256: {  	[tilespmem:s0+$0x90] =	vst v0  }
0x257: {  	[tilespmem:s0+$0x80] =	vst v0  }
0x258: {  	[tilespmem:s0+$0x30] =	vst v0  }
0x259: {  	[tilespmem:s0+$0x20] =	vst v0  }
0x25a: {  	[tilespmem:s0+$0x10] =	vst v0  }
0x25b: {  	[tilespmem:s0+$0x0] =	vst v0  }
0x25c: {  	[tilespmem:s0+$0xFFFFFFB0] =	vst v0  }
0x25d: {  	[tilespmem:s0+$0xFFFFFFA0] =	vst v0  }
0x25e: {  	[tilespmem:s0+$0xFFFFFF90] =	vst v0  }
0x25f: {  	[tilespmem:s0+$0xFFFFFF80] =	vst v0  }
0x260: {  	[tilespmem:s0+$0xFFFFFF30] =	vst v0  }
0x261: {  	[tilespmem:s0+$0xFFFFFF20] =	vst v0  }
0x262: {  	[tilespmem:s0+$0xFFFFFF10] =	vst v0  }
0x263: {  	[tilespmem:s0+$0xFFFFFF00] =	vst v0  }
0x264: {  	[tilespmem:s0+$0xFFFFFEB0] =	vst v0  }
0x265: {  	[tilespmem:s0+$0xFFFFFEA0] =	vst v0  }
0x266: {  	[tilespmem:s0+$0xFFFFFE90] =	vst v0  }
0x267: {  	[tilespmem:s0+$0xFFFFFE80] =	vst v0  }
0x268: {  	[tilespmem:s0+$0xFFFFFE30] =	vst v0  }
0x269: {  	s1 =	simm.s32 $0x0;
	[tilespmem:s0+$0xFFFFFE20] =	vst v0  }
.LBB2_22:
0x26a: {  	s1 =	sadd.s32 $0x8, s1;
	[tilespmem:s0+$0xFFFFFE10] =	vst v0;
	s0 =	sadd.s32 $0x400, s0  }
0x26b: {  	[tilespmem:s0+$0xFFFFFE00] =	vst v0;
	p1 =	slt.u32 s1, $0x78  }
0x26c: {  	[tilespmem:s0+$0x1B0] =	vst v0  }
0x26d: {  	[tilespmem:s0+$0x1A0] =	vst v0  }
0x26e: {  	[tilespmem:s0+$0x190] =	vst v0  }
0x26f: {  	[tilespmem:s0+$0x180] =	vst v0  }
0x270: {  	[tilespmem:s0+$0x130] =	vst v0  }
0x271: {  	[tilespmem:s0+$0x120] =	vst v0  }
0x272: {  	[tilespmem:s0+$0x110] =	vst v0  }
0x273: {  	[tilespmem:s0+$0x100] =	vst v0  }
0x274: {  	[tilespmem:s0+$0xB0] =	vst v0  }
0x275: {  	[tilespmem:s0+$0xA0] =	vst v0  }
0x276: {  	[tilespmem:s0+$0x90] =	vst v0  }
0x277: {  	[tilespmem:s0+$0x80] =	vst v0  }
0x278: {  	[tilespmem:s0+$0x30] =	vst v0  }
0x279: {  	[tilespmem:s0+$0x20] =	vst v0  }
0x27a: {  	[tilespmem:s0+$0x10] =	vst v0  }
0x27b: {  	[tilespmem:s0+$0x0] =	vst v0  }
0x27c: {  	[tilespmem:s0+$0xFFFFFFB0] =	vst v0  }
0x27d: {  	[tilespmem:s0+$0xFFFFFFA0] =	vst v0  }
0x27e: {  	[tilespmem:s0+$0xFFFFFF90] =	vst v0  }
0x27f: {  	[tilespmem:s0+$0xFFFFFF80] =	vst v0  }
0x280: {  	[tilespmem:s0+$0xFFFFFF30] =	vst v0  }
0x281: {  	[tilespmem:s0+$0xFFFFFF20] =	vst v0  }
0x282: {  	[tilespmem:s0+$0xFFFFFF10] =	vst v0  }
0x283: {  	[tilespmem:s0+$0xFFFFFF00] =	vst v0  }
0x284: {  	[tilespmem:s0+$0xFFFFFEB0] =	vst v0  }
.Ltmp10:
0x285: {  	[tilespmem:s0+$0xFFFFFEA0] =	vst v0;
	(pc) =	sbr.rel @p1 .LBB2_22-.Ltmp10, $4  }
0x286: {  	[tilespmem:s0+$0xFFFFFE90] =	vst v0  }
0x287: {  	[tilespmem:s0+$0xFFFFFE80] =	vst v0  }
0x288: {  	[tilespmem:s0+$0xFFFFFE30] =	vst v0  }
0x289: {  	p0 =	por $0x1, $0x1;
	[tilespmem:s0+$0xFFFFFE20] =	vst v0  }
0x28a: {  	[tilespmem:s0+$0xFFFFFE10] =	vst v0;
	s31 =	simm.s32 $0x0  }
.LBB2_24:
0x28b: {  	v2 =	vld [tilespmem:s31+$0x680]  }
0x28c: {  	v3 =	vld [tilespmem:s31+$0x690]  }
0x28d: {  	v7 =	vld [tilespmem:s31+$0x1280]  }
0x28e: {  	v11 =	vld [tilespmem:s31+$0x6A0]  }
0x28f: {  	v12 =	vld [tilespmem:s31+$0x1290]  }
0x290: {  	v13 =	vld [tilespmem:s31+$0x6B0]  }
0x291: {  	s0 =	sor.u32 $0x280, s31;
	v14 =	vld [tilespmem:s31+$0x12A0]  }
0x292: {  	s1 =	sor.u32 $0x290, s31;
	v5 =	vld [tilespmem:s0+$0x0]  }
0x293: {  	v10 =	vmov s31;
	v9 =	vld [tilespmem:s1+$0x0];
	s1 =	sor.u32 $0x2A0, s31  }
0x294: {  	v10 =	vshll.u32 v10, $0x7;
	v40 =	vld [tilespmem:s1+$0x0];
	s1 =	sor.u32 $0x10, s31;
	v2 =	vtrunc.f32 v2  }
0x295: {  	v47 =	vld [tilespmem:s31+$0x12B0];
	v42 =	vmov s1;
	v3 =	vtrunc.f32 v3;
	v2 =	vcvt.f32.s32 v2  }
0x296: {  	v10 =	vor.u32 v1, v10;
	v44 =	vshll.u32 v42, $0x7;
	v3 =	vcvt.f32.s32 v3  }
0x297: {  	s1 =	sor.u32 $0x2B0, s31;
	vm1 =	vlt.f32 v7, $5.120000000e+02;
	v11 =	vtrunc.f32 v11;
	v4 =	vshll.u32 v2, $0x7  }
0x298: {  	v15 =	vld [tilespmem:s1+$0x0];
	s1 =	sor.u32 $0x20, s31;
	v13 =	vtrunc.f32 v13;
	vm2 =	vlt.f32 v12, $5.120000000e+02;
	v8 =	vshll.u32 v3, $0x7  }
0x299: {  	vm3 =	vlt.f32 v14, $5.120000000e+02;
	v46 =	vmov s1;
	v5 =	vtrunc.f32 v5  }
0x29a: {  	v6 =	vld [tilespmem:s31+$0x1680];
	s1 =	sor.u32 $0x30, s31;
	vm4 =	vlt.f32 v47, $5.120000000e+02;
	v9 =	vtrunc.f32 v9;
	v41 =	vcvt.f32.s32 v11  }
0x29b: {  	v38 =	vld [tilespmem:s31+$0x1690];
	v13 =	vcvt.f32.s32 v13;
	v21 =	vmov s1;
	v5 =	vcvt.f32.s32 v5  }
0x29c: {  	v9 =	vcvt.f32.s32 v9;
	v7 =	vtrunc.f32 v40;
	v21 =	vshll.u32 v21, $0x7;
	v4 =	vld.idx.msk [tilespmem:v4+s24+$0x0], $0xffff  }
0x29d: {  	v39 =	vand.u32 $0xFFFFFF80, v2;
	v2 =	vand.u32 $0x7F, v2;
	v17 =	vshll.u32 v13, $0x7;
	v8 =	vld.idx.msk [tilespmem:v8+s24+$0x0], $0xffff  }
0x29e: {  	v43 =	vshll.u32 v41, $0x7;
	v7 =	vcvt.f32.s32 v7;
	v15 =	vtrunc.f32 v15  }
0x29f: {  	v21 =	vor.u32 v1, v21;
	v36 =	vand.u32 $0xFFFFFF80, v5;
	v15 =	vcvt.f32.s32 v15  }
0x2a0: {  	v20 =	vld [tilespmem:s31+$0x16A0];
	v5 =	vand.u32 $0x7F, v5;
	v45 =	vand.u32 $0xFFFFFF80, v9;
	v9 =	vand.u32 $0x7F, v9  }
0x2a1: {  	v48 =	vld [tilespmem:s31+$0x16B0];
	v22 =	vand.u32 $0xFFFFFF80, v15;
	v4 =	vadd.f32 v6, v4;
	v6 =	vadd.s32 v10, v36  }
0x2a2: {  	v17 =	vld.idx.msk [tilespmem:v17+s24+$0x0], $0xffff;
	v37 =	vor.u32 v5, v6;
	v5 =	vadd.f32 v38, v8;
	v8 =	vor.u32 v1, v44  }
0x2a3: {  	v51 =	vld [tilespmem:s31+$0xAB0];
	v15 =	vand.u32 $0x7F, v15;
	v22 =	vadd.s32 v21, v22;
	v11 =	vadd.s32 v8, v45  }
0x2a4: {  	v12 =	vld.idx.msk [tilespmem:v43+s24+$0x0], $0xffff;
	v15 =	vor.u32 v15, v22;
	v9 =	vor.u32 v9, v11;
	v11 =	vshll.u32 v46, $0x7  }
0x2a5: {  	v16 =	vld [tilespmem:s31+$0xA80];
	v50 =	vand.u32 $0xFFFFFF80, v3;
	v19 =	vand.u32 $0xFFFFFF80, v7;
	v11 =	vor.u32 v1, v11  }
0x2a6: {  	v18 =	vld [tilespmem:s31+$0xA90];
	v3 =	vand.u32 $0x7F, v3;
	v7 =	vand.u32 $0x7F, v7;
	v19 =	vadd.s32 v11, v19  }
0x2a7: {  	v49 =	vld [tilespmem:s31+$0xAA0];
	v59 =	vand.u32 $0xFFFFFF80, v13;
	v55 =	vadd.f32 v48, v17;
	v7 =	vor.u32 v7, v19  }
0x2a8: {  	v54 =	vand.u32 $0xFFFFFF80, v41;
	v62 =	vand.u32 $0x7F, v13;
	v60 =	vadd.s32 v21, v59  }
0x2a9: {  	v53 =	vadd.f32 v20, v12;
	v6 =	vadd.s32 v10, v39;
	[tilespmem:v15+s28+$0x0] =	vst.idx.msk vm4, v51;
	vm15 =	vlt.f32 v55, $5.120000000e+02  }
0x2aa: {  	vm0 =	vlt.f32 v4, $5.120000000e+02;
	v2 =	vor.u32 v2, v6;
	v6 =	vor.u32 v62, v60;
	v63 =	vld [tilespmem:s31+$0xEB0];
	[tilespmem:v37+s28+$0x0] =	vst.idx.msk vm1, v16  }
0x2ab: {  	v57 =	vand.u32 $0x7F, v41;
	v52 =	vadd.s32 v8, v50;
	vm5 =	vlt.f32 v5, $5.120000000e+02;
	v56 =	vld [tilespmem:s31+$0xE80];
	[tilespmem:v9+s28+$0x0] =	vst.idx.msk vm2, v18  }
0x2ac: {  	vm14 =	vlt.f32 v53, $5.120000000e+02;
	v3 =	vor.u32 v3, v52;
	v5 =	vadd.s32 v11, v54;
	v58 =	vld [tilespmem:s31+$0xE90];
	[tilespmem:v7+s28+$0x0] =	vst.idx.msk vm3, v49  }
0x2ad: {  	p1 =	por p0, p0;
	v5 =	vor.u32 v57, v5;
	v61 =	vld [tilespmem:s31+$0xEA0]  }
.Ltmp11:
0x2ae: {  	_ = 	snop;
	(pc) =	sbr.rel @p1 .LBB2_24-.Ltmp11, $4  }
0x2af: {  	[tilespmem:v6+s28+$0x0] =	vst.idx.msk vm15, v63  }
0x2b0: {  	[tilespmem:v2+s28+$0x0] =	vst.idx.msk vm0, v56  }
0x2b1: {  	[tilespmem:v3+s28+$0x0] =	vst.idx.msk vm5, v58  }
0x2b2: {  	p0 =	por $0x0, $0x0;
	s31 =	simm.s32 $0x40;
	[tilespmem:v5+s28+$0x0] =	vst.idx.msk vm14, v61  }
0x2b3: {  	[hbm4b:s15+s2] =	stream.linear.scatter [tilespmem:s28], [sflag:$0x2], $0x4000, $0x38;
	[tilespmem:$0xB800] =	vst v63  }
0x2b4: {  	_ =	swait.ge [sflag:s29], $0x4000  }
0x2b5: {  	[sflag:s29] =	ssyncset.done $0x0  }
0x2b6: {  	s0 =	simm.s32 $0x3A00;
	[sflag:s29] =	ssyncadd.s32 $0xFFFFC000  }
0x2b7: {  	[tilespmem:s0+$0xFFFFFE00] =	vst v0  }
0x2b8: {  	[tilespmem:s0+$0x1B0] =	vst v0  }
0x2b9: {  	[tilespmem:s0+$0x1A0] =	vst v0  }
0x2ba: {  	[tilespmem:s0+$0x190] =	vst v0  }
0x2bb: {  	[tilespmem:s0+$0x180] =	vst v0  }
0x2bc: {  	[tilespmem:s0+$0x130] =	vst v0  }
0x2bd: {  	[tilespmem:s0+$0x120] =	vst v0  }
0x2be: {  	[tilespmem:s0+$0x110] =	vst v0  }
0x2bf: {  	[tilespmem:s0+$0x100] =	vst v0  }
0x2c0: {  	[tilespmem:s0+$0xB0] =	vst v0  }
0x2c1: {  	[tilespmem:s0+$0xA0] =	vst v0  }
0x2c2: {  	[tilespmem:s0+$0x90] =	vst v0  }
0x2c3: {  	[tilespmem:s0+$0x80] =	vst v0  }
0x2c4: {  	[tilespmem:s0+$0x30] =	vst v0  }
0x2c5: {  	[tilespmem:s0+$0x20] =	vst v0  }
0x2c6: {  	[tilespmem:s0+$0x10] =	vst v0  }
0x2c7: {  	[tilespmem:s0+$0x0] =	vst v0  }
0x2c8: {  	[tilespmem:s0+$0xFFFFFFB0] =	vst v0  }
0x2c9: {  	[tilespmem:s0+$0xFFFFFFA0] =	vst v0  }
0x2ca: {  	[tilespmem:s0+$0xFFFFFF90] =	vst v0  }
0x2cb: {  	[tilespmem:s0+$0xFFFFFF80] =	vst v0  }
0x2cc: {  	[tilespmem:s0+$0xFFFFFF30] =	vst v0  }
0x2cd: {  	[tilespmem:s0+$0xFFFFFF20] =	vst v0  }
0x2ce: {  	[tilespmem:s0+$0xFFFFFF10] =	vst v0  }
0x2cf: {  	[tilespmem:s0+$0xFFFFFF00] =	vst v0  }
0x2d0: {  	[tilespmem:s0+$0xFFFFFEB0] =	vst v0  }
0x2d1: {  	[tilespmem:s0+$0xFFFFFEA0] =	vst v0  }
0x2d2: {  	[tilespmem:s0+$0xFFFFFE90] =	vst v0  }
0x2d3: {  	[tilespmem:s0+$0xFFFFFE80] =	vst v0  }
0x2d4: {  	[tilespmem:s0+$0xFFFFFE30] =	vst v0  }
0x2d5: {  	s1 =	simm.s32 $0x0;
	[tilespmem:s0+$0xFFFFFE20] =	vst v0  }
.LBB2_26:
0x2d6: {  	s1 =	sadd.s32 $0x8, s1;
	[tilespmem:s0+$0xFFFFFE10] =	vst v0;
	s0 =	sadd.s32 $0x400, s0  }
0x2d7: {  	[tilespmem:s0+$0xFFFFFE00] =	vst v0;
	p1 =	slt.u32 s1, $0x78  }
0x2d8: {  	[tilespmem:s0+$0x1B0] =	vst v0  }
0x2d9: {  	[tilespmem:s0+$0x1A0] =	vst v0  }
0x2da: {  	[tilespmem:s0+$0x190] =	vst v0  }
0x2db: {  	[tilespmem:s0+$0x180] =	vst v0  }
0x2dc: {  	[tilespmem:s0+$0x130] =	vst v0  }
0x2dd: {  	[tilespmem:s0+$0x120] =	vst v0  }
0x2de: {  	[tilespmem:s0+$0x110] =	vst v0  }
0x2df: {  	[tilespmem:s0+$0x100] =	vst v0  }
0x2e0: {  	[tilespmem:s0+$0xB0] =	vst v0  }
0x2e1: {  	[tilespmem:s0+$0xA0] =	vst v0  }
0x2e2: {  	[tilespmem:s0+$0x90] =	vst v0  }
0x2e3: {  	[tilespmem:s0+$0x80] =	vst v0  }
0x2e4: {  	[tilespmem:s0+$0x30] =	vst v0  }
0x2e5: {  	[tilespmem:s0+$0x20] =	vst v0  }
0x2e6: {  	[tilespmem:s0+$0x10] =	vst v0  }
0x2e7: {  	[tilespmem:s0+$0x0] =	vst v0  }
0x2e8: {  	[tilespmem:s0+$0xFFFFFFB0] =	vst v0  }
0x2e9: {  	[tilespmem:s0+$0xFFFFFFA0] =	vst v0  }
0x2ea: {  	[tilespmem:s0+$0xFFFFFF90] =	vst v0  }
0x2eb: {  	[tilespmem:s0+$0xFFFFFF80] =	vst v0  }
0x2ec: {  	[tilespmem:s0+$0xFFFFFF30] =	vst v0  }
0x2ed: {  	[tilespmem:s0+$0xFFFFFF20] =	vst v0  }
0x2ee: {  	[tilespmem:s0+$0xFFFFFF10] =	vst v0  }
0x2ef: {  	[tilespmem:s0+$0xFFFFFF00] =	vst v0  }
0x2f0: {  	[tilespmem:s0+$0xFFFFFEB0] =	vst v0  }
.Ltmp12:
0x2f1: {  	[tilespmem:s0+$0xFFFFFEA0] =	vst v0;
	(pc) =	sbr.rel @p1 .LBB2_26-.Ltmp12, $4  }
0x2f2: {  	[tilespmem:s0+$0xFFFFFE90] =	vst v0  }
0x2f3: {  	[tilespmem:s0+$0xFFFFFE80] =	vst v0  }
0x2f4: {  	[tilespmem:s0+$0xFFFFFE30] =	vst v0  }
0x2f5: {  	p0 =	por $0x1, $0x1;
	[tilespmem:s0+$0xFFFFFE20] =	vst v0  }
0x2f6: {  	[tilespmem:s0+$0xFFFFFE10] =	vst v0;
	s31 =	simm.s32 $0x0  }
.LBB2_28:
0x2f7: {  	v2 =	vld [tilespmem:s31+$0x700]  }
0x2f8: {  	v3 =	vld [tilespmem:s31+$0x710]  }
0x2f9: {  	v7 =	vld [tilespmem:s31+$0x1300]  }
0x2fa: {  	v11 =	vld [tilespmem:s31+$0x720]  }
0x2fb: {  	v12 =	vld [tilespmem:s31+$0x1310]  }
0x2fc: {  	v13 =	vld [tilespmem:s31+$0x730]  }
0x2fd: {  	s0 =	sor.u32 $0x300, s31;
	v14 =	vld [tilespmem:s31+$0x1320]  }
0x2fe: {  	s1 =	sor.u32 $0x310, s31;
	v5 =	vld [tilespmem:s0+$0x0]  }
0x2ff: {  	v10 =	vmov s31;
	v9 =	vld [tilespmem:s1+$0x0];
	s1 =	sor.u32 $0x320, s31  }
0x300: {  	v10 =	vshll.u32 v10, $0x7;
	v40 =	vld [tilespmem:s1+$0x0];
	s1 =	sor.u32 $0x10, s31;
	v2 =	vtrunc.f32 v2  }
0x301: {  	v47 =	vld [tilespmem:s31+$0x1330];
	v42 =	vmov s1;
	v3 =	vtrunc.f32 v3;
	v2 =	vcvt.f32.s32 v2  }
0x302: {  	v10 =	vor.u32 v1, v10;
	v44 =	vshll.u32 v42, $0x7;
	v3 =	vcvt.f32.s32 v3  }
0x303: {  	s1 =	sor.u32 $0x330, s31;
	vm1 =	vlt.f32 v7, $5.120000000e+02;
	v11 =	vtrunc.f32 v11;
	v4 =	vshll.u32 v2, $0x7  }
0x304: {  	v15 =	vld [tilespmem:s1+$0x0];
	s1 =	sor.u32 $0x20, s31;
	v13 =	vtrunc.f32 v13;
	vm2 =	vlt.f32 v12, $5.120000000e+02;
	v8 =	vshll.u32 v3, $0x7  }
0x305: {  	vm3 =	vlt.f32 v14, $5.120000000e+02;
	v46 =	vmov s1;
	v5 =	vtrunc.f32 v5  }
0x306: {  	v6 =	vld [tilespmem:s31+$0x1700];
	s1 =	sor.u32 $0x30, s31;
	vm4 =	vlt.f32 v47, $5.120000000e+02;
	v9 =	vtrunc.f32 v9;
	v41 =	vcvt.f32.s32 v11  }
0x307: {  	v38 =	vld [tilespmem:s31+$0x1710];
	v13 =	vcvt.f32.s32 v13;
	v21 =	vmov s1;
	v5 =	vcvt.f32.s32 v5  }
0x308: {  	v9 =	vcvt.f32.s32 v9;
	v7 =	vtrunc.f32 v40;
	v21 =	vshll.u32 v21, $0x7;
	v4 =	vld.idx.msk [tilespmem:v4+s24+$0x0], $0xffff  }
0x309: {  	v39 =	vand.u32 $0xFFFFFF80, v2;
	v2 =	vand.u32 $0x7F, v2;
	v17 =	vshll.u32 v13, $0x7;
	v8 =	vld.idx.msk [tilespmem:v8+s24+$0x0], $0xffff  }
0x30a: {  	v43 =	vshll.u32 v41, $0x7;
	v7 =	vcvt.f32.s32 v7;
	v15 =	vtrunc.f32 v15  }
0x30b: {  	v21 =	vor.u32 v1, v21;
	v36 =	vand.u32 $0xFFFFFF80, v5;
	v15 =	vcvt.f32.s32 v15  }
0x30c: {  	v20 =	vld [tilespmem:s31+$0x1720];
	v5 =	vand.u32 $0x7F, v5;
	v45 =	vand.u32 $0xFFFFFF80, v9;
	v9 =	vand.u32 $0x7F, v9  }
0x30d: {  	v48 =	vld [tilespmem:s31+$0x1730];
	v22 =	vand.u32 $0xFFFFFF80, v15;
	v4 =	vadd.f32 v6, v4;
	v6 =	vadd.s32 v10, v36  }
0x30e: {  	v17 =	vld.idx.msk [tilespmem:v17+s24+$0x0], $0xffff;
	v37 =	vor.u32 v5, v6;
	v5 =	vadd.f32 v38, v8;
	v8 =	vor.u32 v1, v44  }
0x30f: {  	v51 =	vld [tilespmem:s31+$0xB30];
	v15 =	vand.u32 $0x7F, v15;
	v22 =	vadd.s32 v21, v22;
	v11 =	vadd.s32 v8, v45  }
0x310: {  	v12 =	vld.idx.msk [tilespmem:v43+s24+$0x0], $0xffff;
	v15 =	vor.u32 v15, v22;
	v9 =	vor.u32 v9, v11;
	v11 =	vshll.u32 v46, $0x7  }
0x311: {  	v16 =	vld [tilespmem:s31+$0xB00];
	v50 =	vand.u32 $0xFFFFFF80, v3;
	v19 =	vand.u32 $0xFFFFFF80, v7;
	v11 =	vor.u32 v1, v11  }
0x312: {  	v18 =	vld [tilespmem:s31+$0xB10];
	v3 =	vand.u32 $0x7F, v3;
	v7 =	vand.u32 $0x7F, v7;
	v19 =	vadd.s32 v11, v19  }
0x313: {  	v49 =	vld [tilespmem:s31+$0xB20];
	v59 =	vand.u32 $0xFFFFFF80, v13;
	v55 =	vadd.f32 v48, v17;
	v7 =	vor.u32 v7, v19  }
0x314: {  	v54 =	vand.u32 $0xFFFFFF80, v41;
	v62 =	vand.u32 $0x7F, v13;
	v60 =	vadd.s32 v21, v59  }
0x315: {  	v53 =	vadd.f32 v20, v12;
	v6 =	vadd.s32 v10, v39;
	[tilespmem:v15+s26+$0x0] =	vst.idx.msk vm4, v51;
	vm15 =	vlt.f32 v55, $5.120000000e+02  }
0x316: {  	vm0 =	vlt.f32 v4, $5.120000000e+02;
	v2 =	vor.u32 v2, v6;
	v6 =	vor.u32 v62, v60;
	v63 =	vld [tilespmem:s31+$0xF30];
	[tilespmem:v37+s26+$0x0] =	vst.idx.msk vm1, v16  }
0x317: {  	v57 =	vand.u32 $0x7F, v41;
	v52 =	vadd.s32 v8, v50;
	vm5 =	vlt.f32 v5, $5.120000000e+02;
	v56 =	vld [tilespmem:s31+$0xF00];
	[tilespmem:v9+s26+$0x0] =	vst.idx.msk vm2, v18  }
0x318: {  	vm14 =	vlt.f32 v53, $5.120000000e+02;
	v3 =	vor.u32 v3, v52;
	v5 =	vadd.s32 v11, v54;
	v58 =	vld [tilespmem:s31+$0xF10];
	[tilespmem:v7+s26+$0x0] =	vst.idx.msk vm3, v49  }
0x319: {  	p1 =	por p0, p0;
	v5 =	vor.u32 v57, v5;
	v61 =	vld [tilespmem:s31+$0xF20]  }
.Ltmp13:
0x31a: {  	_ = 	snop;
	(pc) =	sbr.rel @p1 .LBB2_28-.Ltmp13, $4  }
0x31b: {  	[tilespmem:v6+s26+$0x0] =	vst.idx.msk vm15, v63  }
0x31c: {  	[tilespmem:v2+s26+$0x0] =	vst.idx.msk vm0, v56  }
0x31d: {  	[tilespmem:v3+s26+$0x0] =	vst.idx.msk vm5, v58  }
0x31e: {  	p0 =	por $0x0, $0x0;
	s31 =	simm.s32 $0x40;
	[tilespmem:v5+s26+$0x0] =	vst.idx.msk vm14, v61  }
0x31f: {  	[hbm4b:s16+s2] =	stream.linear.scatter [tilespmem:s26], [sflag:$0x2], $0x4000, $0x38;
	[tilespmem:$0xB800] =	vst v63  }
0x320: {  	_ =	swait.ge [sflag:s29], $0x4000  }
0x321: {  	[sflag:s29] =	ssyncset.done $0x0  }
0x322: {  	s0 =	simm.s32 $0x7A00;
	[sflag:s29] =	ssyncadd.s32 $0xFFFFC000  }
0x323: {  	[tilespmem:s0+$0xFFFFFE00] =	vst v0  }
0x324: {  	[tilespmem:s0+$0x1B0] =	vst v0  }
0x325: {  	[tilespmem:s0+$0x1A0] =	vst v0  }
0x326: {  	[tilespmem:s0+$0x190] =	vst v0  }
0x327: {  	[tilespmem:s0+$0x180] =	vst v0  }
0x328: {  	[tilespmem:s0+$0x130] =	vst v0  }
0x329: {  	[tilespmem:s0+$0x120] =	vst v0  }
0x32a: {  	[tilespmem:s0+$0x110] =	vst v0  }
0x32b: {  	[tilespmem:s0+$0x100] =	vst v0  }
0x32c: {  	[tilespmem:s0+$0xB0] =	vst v0  }
0x32d: {  	[tilespmem:s0+$0xA0] =	vst v0  }
0x32e: {  	[tilespmem:s0+$0x90] =	vst v0  }
0x32f: {  	[tilespmem:s0+$0x80] =	vst v0  }
0x330: {  	[tilespmem:s0+$0x30] =	vst v0  }
0x331: {  	[tilespmem:s0+$0x20] =	vst v0  }
0x332: {  	[tilespmem:s0+$0x10] =	vst v0  }
0x333: {  	[tilespmem:s0+$0x0] =	vst v0  }
0x334: {  	[tilespmem:s0+$0xFFFFFFB0] =	vst v0  }
0x335: {  	[tilespmem:s0+$0xFFFFFFA0] =	vst v0  }
0x336: {  	[tilespmem:s0+$0xFFFFFF90] =	vst v0  }
0x337: {  	[tilespmem:s0+$0xFFFFFF80] =	vst v0  }
0x338: {  	[tilespmem:s0+$0xFFFFFF30] =	vst v0  }
0x339: {  	[tilespmem:s0+$0xFFFFFF20] =	vst v0  }
0x33a: {  	[tilespmem:s0+$0xFFFFFF10] =	vst v0  }
0x33b: {  	[tilespmem:s0+$0xFFFFFF00] =	vst v0  }
0x33c: {  	[tilespmem:s0+$0xFFFFFEB0] =	vst v0  }
0x33d: {  	[tilespmem:s0+$0xFFFFFEA0] =	vst v0  }
0x33e: {  	[tilespmem:s0+$0xFFFFFE90] =	vst v0  }
0x33f: {  	[tilespmem:s0+$0xFFFFFE80] =	vst v0  }
0x340: {  	[tilespmem:s0+$0xFFFFFE30] =	vst v0  }
0x341: {  	s1 =	simm.s32 $0x0;
	[tilespmem:s0+$0xFFFFFE20] =	vst v0  }
.LBB2_30:
0x342: {  	s1 =	sadd.s32 $0x8, s1;
	[tilespmem:s0+$0xFFFFFE10] =	vst v0;
	s0 =	sadd.s32 $0x400, s0  }
0x343: {  	[tilespmem:s0+$0xFFFFFE00] =	vst v0;
	p1 =	slt.u32 s1, $0x78  }
0x344: {  	[tilespmem:s0+$0x1B0] =	vst v0  }
0x345: {  	[tilespmem:s0+$0x1A0] =	vst v0  }
0x346: {  	[tilespmem:s0+$0x190] =	vst v0  }
0x347: {  	[tilespmem:s0+$0x180] =	vst v0  }
0x348: {  	[tilespmem:s0+$0x130] =	vst v0  }
0x349: {  	[tilespmem:s0+$0x120] =	vst v0  }
0x34a: {  	[tilespmem:s0+$0x110] =	vst v0  }
0x34b: {  	[tilespmem:s0+$0x100] =	vst v0  }
0x34c: {  	[tilespmem:s0+$0xB0] =	vst v0  }
0x34d: {  	[tilespmem:s0+$0xA0] =	vst v0  }
0x34e: {  	[tilespmem:s0+$0x90] =	vst v0  }
0x34f: {  	[tilespmem:s0+$0x80] =	vst v0  }
0x350: {  	[tilespmem:s0+$0x30] =	vst v0  }
0x351: {  	[tilespmem:s0+$0x20] =	vst v0  }
0x352: {  	[tilespmem:s0+$0x10] =	vst v0  }
0x353: {  	[tilespmem:s0+$0x0] =	vst v0  }
0x354: {  	[tilespmem:s0+$0xFFFFFFB0] =	vst v0  }
0x355: {  	[tilespmem:s0+$0xFFFFFFA0] =	vst v0  }
0x356: {  	[tilespmem:s0+$0xFFFFFF90] =	vst v0  }
0x357: {  	[tilespmem:s0+$0xFFFFFF80] =	vst v0  }
0x358: {  	[tilespmem:s0+$0xFFFFFF30] =	vst v0  }
0x359: {  	[tilespmem:s0+$0xFFFFFF20] =	vst v0  }
0x35a: {  	[tilespmem:s0+$0xFFFFFF10] =	vst v0  }
0x35b: {  	[tilespmem:s0+$0xFFFFFF00] =	vst v0  }
0x35c: {  	[tilespmem:s0+$0xFFFFFEB0] =	vst v0  }
.Ltmp14:
0x35d: {  	[tilespmem:s0+$0xFFFFFEA0] =	vst v0;
	(pc) =	sbr.rel @p1 .LBB2_30-.Ltmp14, $4  }
0x35e: {  	[tilespmem:s0+$0xFFFFFE90] =	vst v0  }
0x35f: {  	[tilespmem:s0+$0xFFFFFE80] =	vst v0  }
0x360: {  	[tilespmem:s0+$0xFFFFFE30] =	vst v0  }
0x361: {  	p0 =	por $0x1, $0x1;
	[tilespmem:s0+$0xFFFFFE20] =	vst v0  }
0x362: {  	[tilespmem:s0+$0xFFFFFE10] =	vst v0;
	s31 =	simm.s32 $0x0  }
.LBB2_32:
0x363: {  	v2 =	vld [tilespmem:s31+$0x780]  }
0x364: {  	v3 =	vld [tilespmem:s31+$0x790]  }
0x365: {  	v7 =	vld [tilespmem:s31+$0x1380]  }
0x366: {  	v11 =	vld [tilespmem:s31+$0x7A0]  }
0x367: {  	v12 =	vld [tilespmem:s31+$0x1390]  }
0x368: {  	v13 =	vld [tilespmem:s31+$0x7B0]  }
0x369: {  	s0 =	sor.u32 $0x380, s31;
	v14 =	vld [tilespmem:s31+$0x13A0]  }
0x36a: {  	s1 =	sor.u32 $0x390, s31;
	v5 =	vld [tilespmem:s0+$0x0]  }
0x36b: {  	v10 =	vmov s31;
	v9 =	vld [tilespmem:s1+$0x0];
	s1 =	sor.u32 $0x3A0, s31  }
0x36c: {  	v10 =	vshll.u32 v10, $0x7;
	v40 =	vld [tilespmem:s1+$0x0];
	s1 =	sor.u32 $0x10, s31;
	v2 =	vtrunc.f32 v2  }
0x36d: {  	v47 =	vld [tilespmem:s31+$0x13B0];
	v42 =	vmov s1;
	v3 =	vtrunc.f32 v3;
	v2 =	vcvt.f32.s32 v2  }
0x36e: {  	v10 =	vor.u32 v1, v10;
	v44 =	vshll.u32 v42, $0x7;
	v3 =	vcvt.f32.s32 v3  }
0x36f: {  	s1 =	sor.u32 $0x3B0, s31;
	vm1 =	vlt.f32 v7, $5.120000000e+02;
	v11 =	vtrunc.f32 v11;
	v4 =	vshll.u32 v2, $0x7  }
0x370: {  	v15 =	vld [tilespmem:s1+$0x0];
	s1 =	sor.u32 $0x20, s31;
	v13 =	vtrunc.f32 v13;
	vm2 =	vlt.f32 v12, $5.120000000e+02;
	v8 =	vshll.u32 v3, $0x7  }
0x371: {  	vm3 =	vlt.f32 v14, $5.120000000e+02;
	v46 =	vmov s1;
	v5 =	vtrunc.f32 v5  }
0x372: {  	v6 =	vld [tilespmem:s31+$0x1780];
	s1 =	sor.u32 $0x30, s31;
	vm4 =	vlt.f32 v47, $5.120000000e+02;
	v9 =	vtrunc.f32 v9;
	v41 =	vcvt.f32.s32 v11  }
0x373: {  	v38 =	vld [tilespmem:s31+$0x1790];
	v13 =	vcvt.f32.s32 v13;
	v21 =	vmov s1;
	v5 =	vcvt.f32.s32 v5  }
0x374: {  	v9 =	vcvt.f32.s32 v9;
	v7 =	vtrunc.f32 v40;
	v21 =	vshll.u32 v21, $0x7;
	v4 =	vld.idx.msk [tilespmem:v4+s24+$0x0], $0xffff  }
0x375: {  	v39 =	vand.u32 $0xFFFFFF80, v2;
	v2 =	vand.u32 $0x7F, v2;
	v17 =	vshll.u32 v13, $0x7;
	v8 =	vld.idx.msk [tilespmem:v8+s24+$0x0], $0xffff  }
0x376: {  	v43 =	vshll.u32 v41, $0x7;
	v7 =	vcvt.f32.s32 v7;
	v15 =	vtrunc.f32 v15  }
0x377: {  	v21 =	vor.u32 v1, v21;
	v36 =	vand.u32 $0xFFFFFF80, v5;
	v15 =	vcvt.f32.s32 v15  }
0x378: {  	v20 =	vld [tilespmem:s31+$0x17A0];
	v5 =	vand.u32 $0x7F, v5;
	v45 =	vand.u32 $0xFFFFFF80, v9;
	v9 =	vand.u32 $0x7F, v9  }
0x379: {  	v48 =	vld [tilespmem:s31+$0x17B0];
	v22 =	vand.u32 $0xFFFFFF80, v15;
	v4 =	vadd.f32 v6, v4;
	v6 =	vadd.s32 v10, v36  }
0x37a: {  	v17 =	vld.idx.msk [tilespmem:v17+s24+$0x0], $0xffff;
	v37 =	vor.u32 v5, v6;
	v5 =	vadd.f32 v38, v8;
	v8 =	vor.u32 v1, v44  }
0x37b: {  	v51 =	vld [tilespmem:s31+$0xBB0];
	v15 =	vand.u32 $0x7F, v15;
	v22 =	vadd.s32 v21, v22;
	v11 =	vadd.s32 v8, v45  }
0x37c: {  	v12 =	vld.idx.msk [tilespmem:v43+s24+$0x0], $0xffff;
	v15 =	vor.u32 v15, v22;
	v9 =	vor.u32 v9, v11;
	v11 =	vshll.u32 v46, $0x7  }
0x37d: {  	v16 =	vld [tilespmem:s31+$0xB80];
	v50 =	vand.u32 $0xFFFFFF80, v3;
	v19 =	vand.u32 $0xFFFFFF80, v7;
	v11 =	vor.u32 v1, v11  }
0x37e: {  	v18 =	vld [tilespmem:s31+$0xB90];
	v3 =	vand.u32 $0x7F, v3;
	v7 =	vand.u32 $0x7F, v7;
	v19 =	vadd.s32 v11, v19  }
0x37f: {  	v49 =	vld [tilespmem:s31+$0xBA0];
	v59 =	vand.u32 $0xFFFFFF80, v13;
	v55 =	vadd.f32 v48, v17;
	v7 =	vor.u32 v7, v19  }
0x380: {  	v54 =	vand.u32 $0xFFFFFF80, v41;
	v62 =	vand.u32 $0x7F, v13;
	v60 =	vadd.s32 v21, v59  }
0x381: {  	v53 =	vadd.f32 v20, v12;
	v6 =	vadd.s32 v10, v39;
	[tilespmem:v15+s28+$0x0] =	vst.idx.msk vm4, v51;
	vm15 =	vlt.f32 v55, $5.120000000e+02  }
0x382: {  	vm0 =	vlt.f32 v4, $5.120000000e+02;
	v2 =	vor.u32 v2, v6;
	v6 =	vor.u32 v62, v60;
	v63 =	vld [tilespmem:s31+$0xFB0];
	[tilespmem:v37+s28+$0x0] =	vst.idx.msk vm1, v16  }
0x383: {  	v57 =	vand.u32 $0x7F, v41;
	v52 =	vadd.s32 v8, v50;
	vm5 =	vlt.f32 v5, $5.120000000e+02;
	v56 =	vld [tilespmem:s31+$0xF80];
	[tilespmem:v9+s28+$0x0] =	vst.idx.msk vm2, v18  }
0x384: {  	vm14 =	vlt.f32 v53, $5.120000000e+02;
	v3 =	vor.u32 v3, v52;
	v5 =	vadd.s32 v11, v54;
	v58 =	vld [tilespmem:s31+$0xF90];
	[tilespmem:v7+s28+$0x0] =	vst.idx.msk vm3, v49  }
0x385: {  	p1 =	por p0, p0;
	v5 =	vor.u32 v57, v5;
	v61 =	vld [tilespmem:s31+$0xFA0]  }
.Ltmp15:
0x386: {  	_ = 	snop;
	(pc) =	sbr.rel @p1 .LBB2_32-.Ltmp15, $4  }
0x387: {  	[tilespmem:v6+s28+$0x0] =	vst.idx.msk vm15, v63  }
0x388: {  	[tilespmem:v2+s28+$0x0] =	vst.idx.msk vm0, v56  }
0x389: {  	[tilespmem:v3+s28+$0x0] =	vst.idx.msk vm5, v58  }
0x38a: {  	p0 =	por $0x0, $0x0;
	s31 =	simm.s32 $0x40;
	[tilespmem:v5+s28+$0x0] =	vst.idx.msk vm14, v61  }
0x38b: {  	[hbm4b:s17+s2] =	stream.linear.scatter [tilespmem:s28], [sflag:$0x2], $0x4000, $0x38;
	[tilespmem:$0xB800] =	vst v63  }
0x38c: {  	s30 =	sadd.s32 $0x1, s30  }
0x38d: {  	_ =	swait.ge [sflag:s29], $0x4000;
	p0 =	sne.s32 s30, s18  }
.Ltmp16:
0x38e: {  	[sflag:s29] =	ssyncset.done $0x0;
	(pc) =	sbr.rel @p0 .LBB2_1-.Ltmp16, $4  }
0x38f: {  	[sflag:s29] =	ssyncadd.s32 $0xFFFFC000  }
0x390: {  	_ =	swait.ge [sflag:s29], $0x4000  }
0x391: {  	[sflag:s29] =	ssyncset.done $0x0  }
0x392: {  	[sflag:s29] =	ssyncadd.s32 $0xFFFFC000  }
0x393: {  	_ =	sfence.sel $0x180000  }
0x394: {  	[bflag:$0x0] =	sbarrier.arrive $0xFFFF  }
0x395: {  	_ =	strace $0x90000047  }
0x396: {  	s0 =	stileid.u32;
	[bflag:$0x2] =	sbarrier.arrive $0xFFFF  }
0x397: {  	p0 =	sne.s32 s0, $0x0;
	s0 =	rddreg [dreg:$0x2]  }
0x398: {  	s0 =	sadd.s32 @!p0 $0x100000, s0  }
0x399: {  	[sflag:s0] =	ssyncadd.tile.s32 @!p0 $0x1;
	_ =	shalt  }
.Lfunc_end2:
_tile_overlayer_lowered:
.L_overlay_start_2:
0x39a: {  	(tag) =	ssettag $0x2  }
0x39b: {  	s0 =	rddreg [dreg:$0x0];
	s2 =	stileid.u32  }
0x39c: {  	s1 =	rddreg [dreg:$0x1];
	p0 =	sne.s32 s2, $0x0  }
0x39d: {  	s3 =	rddreg [dreg:$0x2];
	[bflag:$0x3] =	sbarrier.arrive $0xFFFF;
	s2 =	simm.s32 @!p0 $0x1C03  }
0x39e: {  	[timem:s3], [sflag:s2] =	dma.local @!p0 [hbm:s0], s1  }
0x39f: {  	s0 =	simm.s32 @!p0 $0x3  }
0x3a0: {  	_ =	swait.ge @!p0 [sflag:s0], s1  }
0x3a1: {  	s1 =	ssub.s32 @!p0 $0x0, s1;
	[sflag:s0] =	ssyncset.done @!p0 $0x0  }
0x3a2: {  	[sflag:s0] =	ssyncadd.s32 @!p0 s1  }
0x3a3: {  	[bflag:$0x3] =	sbarrier.arrive $0xFFFF  }
0x3a4: {  	_ =	shalt  }

</sc_bundles>
